<compile_context>
chip_gen: v7x
topology: tpu7x:2x2x1
jax: 0.10.2.dev20260603
libtpu: 0.0.44.dev20260713+nightly
codegen_flags: <defaults>
</compile_context>

<pallas_src>
import functools

import jax
import jax.numpy as jnp
from jax import lax
from jax.experimental import pallas as pl
from jax.experimental.pallas import tpu as pltpu
from jax.experimental.pallas import tpu_sc as plsc

F32 = jnp.float32


def _dot(a, b):
    return jax.lax.dot_general(a, b, (((1,), (0,)), ((), ())),
                               preferred_element_type=F32)


def _ln1_router_body(x_ref, g_ref, b_ref, rw_ref, rb_ref,
                     nx1_ref, probs_ref, acc_ref, *, nblocks, seq):
    i = pl.program_id(0)
    xb = x_ref[...]
    m = jnp.mean(xb, axis=-1, keepdims=True)
    v = jnp.mean(jnp.square(xb - m), axis=-1, keepdims=True)
    nx = (xb - m) / jnp.sqrt(v + 1e-6) * g_ref[...] + b_ref[...]
    nx1_ref[...] = nx
    part = _dot(jnp.sum(nx, axis=0, keepdims=True), rw_ref[...])

    @pl.when(i == 0)
    def _():
        acc_ref[...] = part

    @pl.when(i > 0)
    def _():
        acc_ref[...] += part

    @pl.when(i == nblocks - 1)
    def _():
        logits = acc_ref[...] / seq + rb_ref[...]
        mx = jnp.max(logits, axis=-1, keepdims=True)
        e = jnp.exp(logits - mx)
        probs_ref[...] = e / jnp.sum(e, axis=-1, keepdims=True)


def _qkv_body(nx1_ref, wq_ref, wk_ref, wv_ref, bq_ref, bk_ref, bv_ref,
              q_ref, k_ref, v_ref):
    xb = nx1_ref[...]
    q_ref[0] = _dot(xb, wq_ref[0]) + bq_ref[0]
    k_ref[0] = _dot(xb, wk_ref[0]) + bk_ref[0]
    v_ref[0] = _dot(xb, wv_ref[0]) + bv_ref[0]


def _attn_body(q_ref, k_ref, v_ref, o_ref, *, dh, q_blk, seq):
    scale = dh ** -0.5
    for hh in range(2):
        sl = slice(hh * dh, (hh + 1) * dh)
        kh = k_ref[0, :, sl]
        vh = v_ref[0, :, sl]
        for qb in range(seq // q_blk):
            rows = slice(qb * q_blk, (qb + 1) * q_blk)
            qblk = q_ref[0, rows, sl] * scale
            s = jax.lax.dot_general(qblk, kh, (((1,), (1,)), ((), ())),
                                    preferred_element_type=F32)
            mx = jnp.max(s, axis=-1, keepdims=True)
            p = jnp.exp(s - mx)
            r = jnp.sum(p, axis=-1, keepdims=True)
            o_ref[0, rows, sl] = _dot(p, vh) * (1.0 / r)


def _outproj_ln2_body(x_ref, o_ref, wo_ref, bo_ref, probs_ref,
                      frw_ref, frb_ref, g2_ref, b2_ref,
                      x2_ref, nx2_ref, p16_ref, acc_ref,
                      *, num_e, num_s, seq, num_ffn):
    s = pl.program_id(0)
    e = pl.program_id(1)
    pe = probs_ref[0, e]
    contrib = (_dot(o_ref[0], wo_ref[0]) + bo_ref[0]) * pe

    @pl.when(e == 0)
    def _():
        x2_ref[...] = x_ref[...] + contrib

    @pl.when(e > 0)
    def _():
        x2_ref[...] += contrib

    @pl.when(e == num_e - 1)
    def _():
        x2 = x2_ref[...]
        m = jnp.mean(x2, axis=-1, keepdims=True)
        v = jnp.mean(jnp.square(x2 - m), axis=-1, keepdims=True)
        nx2 = (x2 - m) / jnp.sqrt(v + 1e-6) * g2_ref[...] + b2_ref[...]
        nx2_ref[...] = nx2
        part = _dot(jnp.sum(nx2, axis=0, keepdims=True), frw_ref[...])

        @pl.when(s == 0)
        def _():
            acc_ref[...] = part

        @pl.when(s > 0)
        def _():
            acc_ref[...] += part

        @pl.when(s == num_s - 1)
        def _():
            logits = acc_ref[...] / seq + frb_ref[...]
            mx = jnp.max(logits, axis=-1, keepdims=True)
            ex = jnp.exp(logits - mx)
            p8 = ex / jnp.sum(ex, axis=-1, keepdims=True)
            p16_ref[...] = jnp.concatenate(
                [p8, jnp.full((1, 16 - num_ffn), -1.0, F32)], axis=1)


def _sc_topk_body(p16_hbm, ti_hbm, tp_hbm, p_v, ti_v, tp_v):
    wid = lax.axis_index("s") * 2 + lax.axis_index("c")

    @pl.when(wid == 0)
    def _():
        pltpu.sync_copy(p16_hbm, p_v)
        p = p_v[...]
        iota = lax.iota(jnp.int32, 16)

        def _g(x, idx):
            dn = lax.GatherDimensionNumbers(
                offset_dims=(), collapsed_slice_dims=(0,),
                start_index_map=(0,))
            return lax.gather(x, idx[:, None], dn, (1,),
                              mode=lax.GatherScatterMode.PROMISE_IN_BOUNDS)

        def allmax(x):
            for kk in (1, 2, 4, 8):
                x = jnp.maximum(x, _g(x, iota ^ kk))
            return x

        def allmin(x):
            for kk in (1, 2, 4, 8):
                x = jnp.minimum(x, _g(x, iota ^ kk))
            return x

        m1 = allmax(p)
        i1 = allmin(jnp.where(p == m1, iota, jnp.int32(16)))
        p2 = jnp.where(iota == i1, jnp.float32(-2.0), p)
        m2 = allmax(p2)
        i2 = allmin(jnp.where(p2 == m2, iota, jnp.int32(16)))
        ti_v[...] = jnp.where(iota == 0, i1,
                              jnp.where(iota == 1, i2, jnp.int32(0)))
        tp_v[...] = jnp.where(iota == 0, m1,
                              jnp.where(iota == 1, m2, jnp.float32(0.0)))
        pltpu.sync_copy(ti_v, ti_hbm)
        pltpu.sync_copy(tp_v, tp_hbm)


def _ffn_body(ti_ref, nx2_ref, w1_ref, w2_ref, tp_ref, x2_ref, out_ref):
    k = pl.program_id(1)
    f = pl.program_id(2)

    @pl.when((k == 0) & (f == 0))
    def _():
        out_ref[...] = x2_ref[...]

    h = _dot(nx2_ref[...], w1_ref[0])
    h = 0.5 * h * (1.0 + jax.lax.erf(h * (2.0 ** -0.5)))
    wk = tp_ref[k] / (tp_ref[0] + tp_ref[1])
    out_ref[...] += wk * _dot(h, w2_ref[0])


def kernel(x, ln1_g, ln1_b, mha_Wq, mha_bq, mha_Wk, mha_bk, mha_Wv, mha_bv,
           mha_Wo, mha_bo, mha_rW, mha_rb, ln2_g, ln2_b, ffn_rW, ffn_rb,
           fw1, fw2):
    B, S, D = x.shape
    E, _, H, DH = mha_Wq.shape
    NF = fw1.shape[0]
    F2 = fw1.shape[2]
    HD = H * DH
    x2d = x.reshape(S, D)

    SB = 256
    nb = S // SB
    nx1, mha_probs = pl.pallas_call(
        functools.partial(_ln1_router_body, nblocks=nb, seq=S),
        grid=(nb,),
        in_specs=[
            pl.BlockSpec((SB, D), lambda i: (i, 0)),
            pl.BlockSpec((1, D), lambda i: (0, 0)),
            pl.BlockSpec((1, D), lambda i: (0, 0)),
            pl.BlockSpec((D, E), lambda i: (0, 0)),
            pl.BlockSpec((1, E), lambda i: (0, 0)),
        ],
        out_specs=[
            pl.BlockSpec((SB, D), lambda i: (i, 0)),
            pl.BlockSpec((1, E), lambda i: (0, 0)),
        ],
        out_shape=[
            jax.ShapeDtypeStruct((S, D), F32),
            jax.ShapeDtypeStruct((1, E), F32),
        ],
        scratch_shapes=[pltpu.VMEM((1, E), F32)],
    )(x2d, ln1_g.reshape(1, D), ln1_b.reshape(1, D), mha_rW,
      mha_rb.reshape(1, E))

    NBLK = 256
    nn = HD // NBLK
    qkv_shape = jax.ShapeDtypeStruct((E, S, HD), F32)
    q, k, v = pl.pallas_call(
        _qkv_body,
        grid=(E, nn),
        in_specs=[
            pl.BlockSpec((S, D), lambda e, n: (0, 0)),
            pl.BlockSpec((1, D, NBLK), lambda e, n: (e, 0, n)),
            pl.BlockSpec((1, D, NBLK), lambda e, n: (e, 0, n)),
            pl.BlockSpec((1, D, NBLK), lambda e, n: (e, 0, n)),
            pl.BlockSpec((1, 1, NBLK), lambda e, n: (e, 0, n)),
            pl.BlockSpec((1, 1, NBLK), lambda e, n: (e, 0, n)),
            pl.BlockSpec((1, 1, NBLK), lambda e, n: (e, 0, n)),
        ],
        out_specs=[
            pl.BlockSpec((1, S, NBLK), lambda e, n: (e, 0, n)),
            pl.BlockSpec((1, S, NBLK), lambda e, n: (e, 0, n)),
            pl.BlockSpec((1, S, NBLK), lambda e, n: (e, 0, n)),
        ],
        out_shape=[qkv_shape, qkv_shape, qkv_shape],
        compiler_params=pltpu.CompilerParams(
            dimension_semantics=("parallel", "parallel")),
    )(nx1, mha_Wq.reshape(E, D, HD), mha_Wk.reshape(E, D, HD),
      mha_Wv.reshape(E, D, HD), mha_bq.reshape(E, 1, HD),
      mha_bk.reshape(E, 1, HD), mha_bv.reshape(E, 1, HD))

    QBLK = 256
    o_all = pl.pallas_call(
        functools.partial(_attn_body, dh=DH, q_blk=QBLK, seq=S),
        grid=(E, H // 2),
        in_specs=[
            pl.BlockSpec((1, S, 2 * DH), lambda e, h: (e, 0, h)),
            pl.BlockSpec((1, S, 2 * DH), lambda e, h: (e, 0, h)),
            pl.BlockSpec((1, S, 2 * DH), lambda e, h: (e, 0, h)),
        ],
        out_specs=pl.BlockSpec((1, S, 2 * DH), lambda e, h: (e, 0, h)),
        out_shape=jax.ShapeDtypeStruct((E, S, HD), F32),
        compiler_params=pltpu.CompilerParams(
            dimension_semantics=("parallel", "parallel")),
    )(q, k, v)

    SB3 = 1024
    ns3 = S // SB3
    x2, nx2, p16 = pl.pallas_call(
        functools.partial(_outproj_ln2_body, num_e=E, num_s=ns3, seq=S,
                          num_ffn=NF),
        grid=(ns3, E),
        in_specs=[
            pl.BlockSpec((SB3, D), lambda s, e: (s, 0)),
            pl.BlockSpec((1, SB3, HD), lambda s, e: (e, s, 0)),
            pl.BlockSpec((1, HD, D), lambda s, e: (e, 0, 0)),
            pl.BlockSpec((1, 1, D), lambda s, e: (e, 0, 0)),
            pl.BlockSpec(memory_space=pltpu.SMEM),
            pl.BlockSpec((D, NF), lambda s, e: (0, 0)),
            pl.BlockSpec((1, NF), lambda s, e: (0, 0)),
            pl.BlockSpec((1, D), lambda s, e: (0, 0)),
            pl.BlockSpec((1, D), lambda s, e: (0, 0)),
        ],
        out_specs=[
            pl.BlockSpec((SB3, D), lambda s, e: (s, 0)),
            pl.BlockSpec((SB3, D), lambda s, e: (s, 0)),
            pl.BlockSpec((1, 16), lambda s, e: (0, 0)),
        ],
        out_shape=[
            jax.ShapeDtypeStruct((S, D), F32),
            jax.ShapeDtypeStruct((S, D), F32),
            jax.ShapeDtypeStruct((1, 16), F32),
        ],
        scratch_shapes=[pltpu.VMEM((1, NF), F32)],
    )(x2d, o_all, mha_Wo.reshape(E, HD, D), mha_bo.reshape(E, 1, D), mha_probs,
      ffn_rW, ffn_rb.reshape(1, NF), ln2_g.reshape(1, D), ln2_b.reshape(1, D))

    sc_topk = functools.partial(
        pl.kernel,
        mesh=plsc.VectorSubcoreMesh(core_axis_name="c", subcore_axis_name="s"),
        out_type=[
            jax.ShapeDtypeStruct((16,), jnp.int32),
            jax.ShapeDtypeStruct((16,), F32),
        ],
        scratch_types=[
            pltpu.VMEM((16,), F32),
            pltpu.VMEM((16,), jnp.int32),
            pltpu.VMEM((16,), F32),
        ],
    )(_sc_topk_body)
    ti, tp = sc_topk(p16.reshape(16))

    SBF = 1024
    FBLK = 512
    grid_spec = pltpu.PrefetchScalarGridSpec(
        num_scalar_prefetch=1,
        grid=(S // SBF, 2, F2 // FBLK),
        in_specs=[
            pl.BlockSpec((SBF, D), lambda s, kk, f, ti: (s, 0)),
            pl.BlockSpec((1, D, FBLK), lambda s, kk, f, ti: (ti[kk], 0, f)),
            pl.BlockSpec((1, FBLK, D), lambda s, kk, f, ti: (ti[kk], f, 0)),
            pl.BlockSpec(memory_space=pltpu.SMEM),
            pl.BlockSpec((SBF, D), lambda s, kk, f, ti: (s, 0)),
        ],
        out_specs=pl.BlockSpec((SBF, D), lambda s, kk, f, ti: (s, 0)),
    )
    out2d = pl.pallas_call(
        _ffn_body,
        grid_spec=grid_spec,
        out_shape=jax.ShapeDtypeStruct((S, D), F32),
        compiler_params=pltpu.CompilerParams(
            dimension_semantics=("parallel", "arbitrary", "arbitrary")),
    )(ti, nx2, fw1, fw2, tp, x2)

    return out2d.reshape(B, S, D)

# --- scband reference (transcript-rebuilt; emitter-appended) ---
"""Pipeline reference for scband-dynamic-assembly-73091753443686 (READ-ONLY COPY).

The authoritative reference and input builder live on the scoring server;
editing this copy changes nothing except your own understanding.
"""

import jax, jax.numpy as jnp
import numpy as np

B, S, D, H = 1, 2048, 1024, 16
DH = D // H
NUM_MHA, NUM_FFN, TOP_K = 2, 8, 2


def setup_inputs(seed: int = 0):
    key = jax.random.key(seed)
    ks = jax.random.split(key, 12)

    def n(k, shape, scale=0.02):
        return jax.random.normal(k, shape, dtype=jnp.float32) * scale

    inp = {}
    inp["x"] = jax.random.normal(ks[0], (B, S, D), dtype=jnp.float32)
    inp["ln1_g"] = jnp.ones((D,), jnp.float32)
    inp["ln1_b"] = jnp.zeros((D,), jnp.float32)
    inp["mha_Wq"] = n(ks[1], (NUM_MHA, D, H, DH))
    inp["mha_bq"] = jnp.zeros((NUM_MHA, H, DH), jnp.float32)
    inp["mha_Wk"] = n(ks[2], (NUM_MHA, D, H, DH))
    inp["mha_bk"] = jnp.zeros((NUM_MHA, H, DH), jnp.float32)
    inp["mha_Wv"] = n(ks[3], (NUM_MHA, D, H, DH))
    inp["mha_bv"] = jnp.zeros((NUM_MHA, H, DH), jnp.float32)
    inp["mha_Wo"] = n(ks[4], (NUM_MHA, H, DH, D))
    inp["mha_bo"] = jnp.zeros((NUM_MHA, D), jnp.float32)
    inp["mha_rW"] = n(ks[5], (D, NUM_MHA))
    inp["mha_rb"] = jnp.zeros((NUM_MHA,), jnp.float32)
    inp["ln2_g"] = jnp.ones((D,), jnp.float32)
    inp["ln2_b"] = jnp.zeros((D,), jnp.float32)
    inp["ffn_rW"] = n(ks[6], (D, NUM_FFN))
    inp["ffn_rb"] = jnp.zeros((NUM_FFN,), jnp.float32)
    inp["fw1"] = n(ks[7], (NUM_FFN, D, 2 * D))
    inp["fw2"] = n(ks[8], (NUM_FFN, 2 * D, D))
    return inp


def _ln(x, g, b):
    m = jnp.mean(x, axis=-1, keepdims=True)
    v = jnp.mean(jnp.square(x - m), axis=-1, keepdims=True)
    return (x - m) / jnp.sqrt(v + 1e-6) * g + b


def _mha(x, Wq, bq, Wk, bk, Wv, bv, Wo, bo):
    # Keras MultiHeadAttention, self-attention (query=x, value=x, key=value)
    q = jnp.einsum('bsd,dhk->bshk', x, Wq) + bq
    k = jnp.einsum('bsd,dhk->bshk', x, Wk) + bk
    v = jnp.einsum('bsd,dhk->bshk', x, Wv) + bv
    scores = jnp.einsum('bqhk,bshk->bhqs', q, k) / jnp.sqrt(jnp.float32(DH))
    attn = jax.nn.softmax(scores, axis=-1)
    o = jnp.einsum('bhqs,bshk->bqhk', attn, v)
    return jnp.einsum('bqhk,hkd->bqd', o, Wo) + bo


def _forward(x, ln1_g, ln1_b, mha_Wq, mha_bq, mha_Wk, mha_bk, mha_Wv, mha_bv, mha_Wo, mha_bo, mha_rW, mha_rb, ln2_g, ln2_b, ffn_rW, ffn_rb, fw1, fw2):
    nx1 = _ln(x, ln1_g, ln1_b)
    # MHA router: dense over sequence-mean, softmax; all experts run, soft-mixed
    mha_logits = jnp.mean(nx1, axis=1) @ mha_rW + mha_rb
    mha_probs = jax.nn.softmax(mha_logits, axis=-1)
    outs = [_mha(nx1, mha_Wq[i], mha_bq[i], mha_Wk[i], mha_bk[i], mha_Wv[i], mha_bv[i], mha_Wo[i], mha_bo[i]) for i in range(NUM_MHA)]
    stacked = jnp.stack(outs, axis=1)
    mha_final = jnp.sum(stacked * mha_probs[:, :, None, None], axis=1)
    x = x + mha_final  # dropout is identity at inference
    nx2 = _ln(x, ln2_g, ln2_b)
    # FFN router: top-2 over per-sequence probs, renormalized
    ffn_logits = jnp.mean(nx2, axis=1) @ ffn_rW + ffn_rb
    ffn_probs = jax.nn.softmax(ffn_logits, axis=-1)
    tp, ti = jax.lax.top_k(ffn_probs, TOP_K)
    tp = tp / jnp.sum(tp, axis=-1, keepdims=True)
    sw1 = jnp.take(fw1, ti, axis=0)  # [B, K, D, 2D]
    sw2 = jnp.take(fw2, ti, axis=0)  # [B, K, 2D, D]
    h = jax.nn.gelu(jnp.einsum('btd,bkdf->bktf', nx2, sw1), approximate=False)
    eo = jnp.einsum('bktf,bkfd->bktd', h, sw2)
    ffn_final = jnp.sum(eo * tp[:, :, None, None], axis=1)
    return x + ffn_final


def reference(x, ln1_g, ln1_b, mha_Wq, mha_bq, mha_Wk, mha_bk, mha_Wv, mha_bv, mha_Wo, mha_bo, mha_rW, mha_rb, ln2_g, ln2_b, ffn_rW, ffn_rb, fw1, fw2):
    return _forward(x, ln1_g, ln1_b, mha_Wq, mha_bq, mha_Wk, mha_bk, mha_Wv, mha_bv, mha_Wo, mha_bo, mha_rW, mha_rb, ln2_g, ln2_b, ffn_rW, ffn_rb, fw1, fw2)

if __name__ == "__main__":
    import jax
    _d = setup_inputs()
    print(jax.jit(kernel)(*tuple(_d.values())))

</pallas_src>

<mosaic_0001>
#map = affine_map<(d0, d1) -> (0)>
module attributes {stable_mosaic.version = 14 : i64} {
  func.func @_sc_topk_body(%arg0: i32, %arg1: i32, %arg2: memref<16xf32, #tpu.memory_space<hbm>>, %arg3: memref<16xi32, #tpu.memory_space<hbm>>, %arg4: memref<16xf32, #tpu.memory_space<hbm>>, %arg5: memref<16xf32, #tpu.memory_space<vmem>>, %arg6: memref<16xi32, #tpu.memory_space<vmem>>, %arg7: memref<16xf32, #tpu.memory_space<vmem>>) attributes {dimension_semantics = [#tpu.dimension_semantics<core_parallel>, #tpu.dimension_semantics<subcore_parallel>], iteration_bounds = array<i64: 2, 16>, scalar_prefetch = 0 : i64, scratch_operands = 3 : i64, tpu.core_type = #tpu.core_type<sc_vector_subcore>, window_params = [{transform_indices = #map}, {transform_indices = #map}, {transform_indices = #map}]} {
    %mul3A = arith.constant 2 : i32
    %mul3A_0 = arith.muli %arg1, %mul3A : i32
    %add3A = arith.addi %mul3A_0, %arg0 : i32
    %eq3A = arith.constant 0 : i32
    %eq3A_1 = arith.cmpi eq, %add3A, %eq3A : i32
    %convert_element_type3A = arith.extui %eq3A_1 : i1 to i32
    %cond3A = arith.constant 0 : i32
    %cond3A_2 = arith.cmpi ne, %convert_element_type3A, %cond3A : i32
    scf.if %cond3A_2 {
      "tpu.region"() ({
        %run_scoped3A = tpu.sem_alloc : memref<!tpu.dma_semaphore, #tpu.memory_space<semaphore_mem>>
        tpu.enqueue_dma source(%arg2 : memref<16xf32, #tpu.memory_space<hbm>>) target(%arg5 : memref<16xf32, #tpu.memory_space<vmem>>) target_semaphore(%run_scoped3A : memref<!tpu.dma_semaphore, #tpu.memory_space<semaphore_mem>>)
        tpu.wait_dma2 semaphore(%run_scoped3A : memref<!tpu.dma_semaphore, #tpu.memory_space<semaphore_mem>>) src(%arg2 : memref<16xf32, #tpu.memory_space<hbm>>) dst(%arg5 : memref<16xf32, #tpu.memory_space<vmem>>)
        tpu.yield
      }) : () -> ()
      %get3A = arith.constant 0 : index
      %get3A_3 = tpu.vector_load %arg5[%get3A] {strides = array<i32>} : memref<16xf32, #tpu.memory_space<vmem>>, vector<16xf32>,
      %get3A_4 = vector.shape_cast %get3A_3 : vector<16xf32> to vector<16xf32>
      %iota3A = tpu.iota {dimensions = array<i32: 0>} : vector<16xi32>
      %xor3A = arith.constant 1 : i32
      %xor3A_5 = vector.broadcast %xor3A : i32 to vector<16xi32>
      %xor3A_6 = arith.xori %iota3A, %xor3A_5 : vector<16xi32>
      %broadcast_in_dim3A = vector.shape_cast %xor3A_6 : vector<16xi32> to vector<16x1xi32>
      %gather3A = vector.shape_cast %broadcast_in_dim3A : vector<16x1xi32> to vector<16xi32>
      %gather3A_7 = tpu.dynamic_gather %get3A_4[%gather3A] in [0] : vector<16xf32>, vector<16xi32> -> vector<16xf32>
      %max3A = arith.maximumf %get3A_4, %gather3A_7 : vector<16xf32>
      %xor3A_8 = arith.constant 2 : i32
      %xor3A_9 = vector.broadcast %xor3A_8 : i32 to vector<16xi32>
      %xor3A_10 = arith.xori %iota3A, %xor3A_9 : vector<16xi32>
      %broadcast_in_dim3A_11 = vector.shape_cast %xor3A_10 : vector<16xi32> to vector<16x1xi32>
      %gather3A_12 = vector.shape_cast %broadcast_in_dim3A_11 : vector<16x1xi32> to vector<16xi32>
      %gather3A_13 = tpu.dynamic_gather %max3A[%gather3A_12] in [0] : vector<16xf32>, vector<16xi32> -> vector<16xf32>
      %max3A_14 = arith.maximumf %max3A, %gather3A_13 : vector<16xf32>
      %xor3A_15 = arith.constant 4 : i32
      %xor3A_16 = vector.broadcast %xor3A_15 : i32 to vector<16xi32>
      %xor3A_17 = arith.xori %iota3A, %xor3A_16 : vector<16xi32>
      %broadcast_in_dim3A_18 = vector.shape_cast %xor3A_17 : vector<16xi32> to vector<16x1xi32>
      %gather3A_19 = vector.shape_cast %broadcast_in_dim3A_18 : vector<16x1xi32> to vector<16xi32>
      %gather3A_20 = tpu.dynamic_gather %max3A_14[%gather3A_19] in [0] : vector<16xf32>, vector<16xi32> -> vector<16xf32>
      %max3A_21 = arith.maximumf %max3A_14, %gather3A_20 : vector<16xf32>
      %xor3A_22 = arith.constant 8 : i32
      %xor3A_23 = vector.broadcast %xor3A_22 : i32 to vector<16xi32>
      %xor3A_24 = arith.xori %iota3A, %xor3A_23 : vector<16xi32>
      %broadcast_in_dim3A_25 = vector.shape_cast %xor3A_24 : vector<16xi32> to vector<16x1xi32>
      %gather3A_26 = vector.shape_cast %broadcast_in_dim3A_25 : vector<16x1xi32> to vector<16xi32>
      %gather3A_27 = tpu.dynamic_gather %max3A_21[%gather3A_26] in [0] : vector<16xf32>, vector<16xi32> -> vector<16xf32>
      %max3A_28 = arith.maximumf %max3A_21, %gather3A_27 : vector<16xf32>
      %eq3A_29 = arith.cmpf oeq, %get3A_4, %max3A_28 : vector<16xf32>
      %jit3A = arith.constant 16 : i32
      %broadcast_in_dim3A_30 = vector.broadcast %jit3A : i32 to vector<16xi32>
      %select_n3A = arith.select %eq3A_29, %iota3A, %broadcast_in_dim3A_30 : vector<16xi1>, vector<16xi32>
      %xor3A_31 = arith.constant 1 : i32
      %xor3A_32 = vector.broadcast %xor3A_31 : i32 to vector<16xi32>
      %xor3A_33 = arith.xori %iota3A, %xor3A_32 : vector<16xi32>
      %broadcast_in_dim3A_34 = vector.shape_cast %xor3A_33 : vector<16xi32> to vector<16x1xi32>
      %gather3A_35 = vector.shape_cast %broadcast_in_dim3A_34 : vector<16x1xi32> to vector<16xi32>
      %gather3A_36 = tpu.dynamic_gather %select_n3A[%gather3A_35] in [0] : vector<16xi32>, vector<16xi32> -> vector<16xi32>
      %min3A = arith.minsi %select_n3A, %gather3A_36 : vector<16xi32>
      %xor3A_37 = arith.constant 2 : i32
      %xor3A_38 = vector.broadcast %xor3A_37 : i32 to vector<16xi32>
      %xor3A_39 = arith.xori %iota3A, %xor3A_38 : vector<16xi32>
      %broadcast_in_dim3A_40 = vector.shape_cast %xor3A_39 : vector<16xi32> to vector<16x1xi32>
      %gather3A_41 = vector.shape_cast %broadcast_in_dim3A_40 : vector<16x1xi32> to vector<16xi32>
      %gather3A_42 = tpu.dynamic_gather %min3A[%gather3A_41] in [0] : vector<16xi32>, vector<16xi32> -> vector<16xi32>
      %min3A_43 = arith.minsi %min3A, %gather3A_42 : vector<16xi32>
      %xor3A_44 = arith.constant 4 : i32
      %xor3A_45 = vector.broadcast %xor3A_44 : i32 to vector<16xi32>
      %xor3A_46 = arith.xori %iota3A, %xor3A_45 : vector<16xi32>
      %broadcast_in_dim3A_47 = vector.shape_cast %xor3A_46 : vector<16xi32> to vector<16x1xi32>
      %gather3A_48 = vector.shape_cast %broadcast_in_dim3A_47 : vector<16x1xi32> to vector<16xi32>
      %gather3A_49 = tpu.dynamic_gather %min3A_43[%gather3A_48] in [0] : vector<16xi32>, vector<16xi32> -> vector<16xi32>
      %min3A_50 = arith.minsi %min3A_43, %gather3A_49 : vector<16xi32>
      %xor3A_51 = arith.constant 8 : i32
      %xor3A_52 = vector.broadcast %xor3A_51 : i32 to vector<16xi32>
      %xor3A_53 = arith.xori %iota3A, %xor3A_52 : vector<16xi32>
      %broadcast_in_dim3A_54 = vector.shape_cast %xor3A_53 : vector<16xi32> to vector<16x1xi32>
      %gather3A_55 = vector.shape_cast %broadcast_in_dim3A_54 : vector<16x1xi32> to vector<16xi32>
      %gather3A_56 = tpu.dynamic_gather %min3A_50[%gather3A_55] in [0] : vector<16xi32>, vector<16xi32> -> vector<16xi32>
      %min3A_57 = arith.minsi %min3A_50, %gather3A_56 : vector<16xi32>
      %eq3A_58 = arith.cmpi eq, %iota3A, %min3A_57 : vector<16xi32>
      %jit3A_59 = arith.constant -2.000000e+00 : f32
      %broadcast_in_dim3A_60 = vector.broadcast %jit3A_59 : f32 to vector<16xf32>
      %select_n3A_61 = arith.select %eq3A_58, %broadcast_in_dim3A_60, %get3A_4 : vector<16xi1>, vector<16xf32>
      %xor3A_62 = arith.constant 1 : i32
      %xor3A_63 = vector.broadcast %xor3A_62 : i32 to vector<16xi32>
      %xor3A_64 = arith.xori %iota3A, %xor3A_63 : vector<16xi32>
      %broadcast_in_dim3A_65 = vector.shape_cast %xor3A_64 : vector<16xi32> to vector<16x1xi32>
      %gather3A_66 = vector.shape_cast %broadcast_in_dim3A_65 : vector<16x1xi32> to vector<16xi32>
      %gather3A_67 = tpu.dynamic_gather %select_n3A_61[%gather3A_66] in [0] : vector<16xf32>, vector<16xi32> -> vector<16xf32>
      %max3A_68 = arith.maximumf %select_n3A_61, %gather3A_67 : vector<16xf32>
      %xor3A_69 = arith.constant 2 : i32
      %xor3A_70 = vector.broadcast %xor3A_69 : i32 to vector<16xi32>
      %xor3A_71 = arith.xori %iota3A, %xor3A_70 : vector<16xi32>
      %broadcast_in_dim3A_72 = vector.shape_cast %xor3A_71 : vector<16xi32> to vector<16x1xi32>
      %gather3A_73 = vector.shape_cast %broadcast_in_dim3A_72 : vector<16x1xi32> to vector<16xi32>
      %gather3A_74 = tpu.dynamic_gather %max3A_68[%gather3A_73] in [0] : vector<16xf32>, vector<16xi32> -> vector<16xf32>
      %max3A_75 = arith.maximumf %max3A_68, %gather3A_74 : vector<16xf32>
      %xor3A_76 = arith.constant 4 : i32
      %xor3A_77 = vector.broadcast %xor3A_76 : i32 to vector<16xi32>
      %xor3A_78 = arith.xori %iota3A, %xor3A_77 : vector<16xi32>
      %broadcast_in_dim3A_79 = vector.shape_cast %xor3A_78 : vector<16xi32> to vector<16x1xi32>
      %gather3A_80 = vector.shape_cast %broadcast_in_dim3A_79 : vector<16x1xi32> to vector<16xi32>
      %gather3A_81 = tpu.dynamic_gather %max3A_75[%gather3A_80] in [0] : vector<16xf32>, vector<16xi32> -> vector<16xf32>
      %max3A_82 = arith.maximumf %max3A_75, %gather3A_81 : vector<16xf32>
      %xor3A_83 = arith.constant 8 : i32
      %xor3A_84 = vector.broadcast %xor3A_83 : i32 to vector<16xi32>
      %xor3A_85 = arith.xori %iota3A, %xor3A_84 : vector<16xi32>
      %broadcast_in_dim3A_86 = vector.shape_cast %xor3A_85 : vector<16xi32> to vector<16x1xi32>
      %gather3A_87 = vector.shape_cast %broadcast_in_dim3A_86 : vector<16x1xi32> to vector<16xi32>
      %gather3A_88 = tpu.dynamic_gather %max3A_82[%gather3A_87] in [0] : vector<16xf32>, vector<16xi32> -> vector<16xf32>
      %max3A_89 = arith.maximumf %max3A_82, %gather3A_88 : vector<16xf32>
      %eq3A_90 = arith.cmpf oeq, %select_n3A_61, %max3A_89 : vector<16xf32>
      %jit3A_91 = arith.constant 16 : i32
      %broadcast_in_dim3A_92 = vector.broadcast %jit3A_91 : i32 to vector<16xi32>
      %select_n3A_93 = arith.select %eq3A_90, %iota3A, %broadcast_in_dim3A_92 : vector<16xi1>, vector<16xi32>
      %xor3A_94 = arith.constant 1 : i32
      %xor3A_95 = vector.broadcast %xor3A_94 : i32 to vector<16xi32>
      %xor3A_96 = arith.xori %iota3A, %xor3A_95 : vector<16xi32>
      %broadcast_in_dim3A_97 = vector.shape_cast %xor3A_96 : vector<16xi32> to vector<16x1xi32>
      %gather3A_98 = vector.shape_cast %broadcast_in_dim3A_97 : vector<16x1xi32> to vector<16xi32>
      %gather3A_99 = tpu.dynamic_gather %select_n3A_93[%gather3A_98] in [0] : vector<16xi32>, vector<16xi32> -> vector<16xi32>
      %min3A_100 = arith.minsi %select_n3A_93, %gather3A_99 : vector<16xi32>
      %xor3A_101 = arith.constant 2 : i32
      %xor3A_102 = vector.broadcast %xor3A_101 : i32 to vector<16xi32>
      %xor3A_103 = arith.xori %iota3A, %xor3A_102 : vector<16xi32>
      %broadcast_in_dim3A_104 = vector.shape_cast %xor3A_103 : vector<16xi32> to vector<16x1xi32>
      %gather3A_105 = vector.shape_cast %broadcast_in_dim3A_104 : vector<16x1xi32> to vector<16xi32>
      %gather3A_106 = tpu.dynamic_gather %min3A_100[%gather3A_105] in [0] : vector<16xi32>, vector<16xi32> -> vector<16xi32>
      %min3A_107 = arith.minsi %min3A_100, %gather3A_106 : vector<16xi32>
      %xor3A_108 = arith.constant 4 : i32
      %xor3A_109 = vector.broadcast %xor3A_108 : i32 to vector<16xi32>
      %xor3A_110 = arith.xori %iota3A, %xor3A_109 : vector<16xi32>
      %broadcast_in_dim3A_111 = vector.shape_cast %xor3A_110 : vector<16xi32> to vector<16x1xi32>
      %gather3A_112 = vector.shape_cast %broadcast_in_dim3A_111 : vector<16x1xi32> to vector<16xi32>
      %gather3A_113 = tpu.dynamic_gather %min3A_107[%gather3A_112] in [0] : vector<16xi32>, vector<16xi32> -> vector<16xi32>
      %min3A_114 = arith.minsi %min3A_107, %gather3A_113 : vector<16xi32>
      %xor3A_115 = arith.constant 8 : i32
      %xor3A_116 = vector.broadcast %xor3A_115 : i32 to vector<16xi32>
      %xor3A_117 = arith.xori %iota3A, %xor3A_116 : vector<16xi32>
      %broadcast_in_dim3A_118 = vector.shape_cast %xor3A_117 : vector<16xi32> to vector<16x1xi32>
      %gather3A_119 = vector.shape_cast %broadcast_in_dim3A_118 : vector<16x1xi32> to vector<16xi32>
      %gather3A_120 = tpu.dynamic_gather %min3A_114[%gather3A_119] in [0] : vector<16xi32>, vector<16xi32> -> vector<16xi32>
      %min3A_121 = arith.minsi %min3A_114, %gather3A_120 : vector<16xi32>
      %eq3A_122 = arith.constant 0 : i32
      %eq3A_123 = vector.broadcast %eq3A_122 : i32 to vector<16xi32>
      %eq3A_124 = arith.cmpi eq, %iota3A, %eq3A_123 : vector<16xi32>
      %eq3A_125 = arith.constant 1 : i32
      %eq3A_126 = vector.broadcast %eq3A_125 : i32 to vector<16xi32>
      %eq3A_127 = arith.cmpi eq, %iota3A, %eq3A_126 : vector<16xi32>
      %jit3A_128 = arith.constant 0 : i32
      %broadcast_in_dim3A_129 = vector.broadcast %jit3A_128 : i32 to vector<16xi32>
      %select_n3A_130 = arith.select %eq3A_127, %min3A_121, %broadcast_in_dim3A_129 : vector<16xi1>, vector<16xi32>
      %select_n3A_131 = arith.select %eq3A_124, %min3A_57, %select_n3A_130 : vector<16xi1>, vector<16xi32>
      %swap3A = arith.constant 0 : index
      %swap3A_132 = tpu.vector_load %arg6[%swap3A] {strides = array<i32>} : memref<16xi32, #tpu.memory_space<vmem>>, vector<16xi32>,
      %swap3A_133 = vector.shape_cast %swap3A_132 : vector<16xi32> to vector<16xi32>
      %swap3A_134 = vector.shape_cast %select_n3A_131 : vector<16xi32> to vector<16xi32>
      tpu.vector_store %arg6[%swap3A], %swap3A_134 {strides = array<i32>} : memref<16xi32, #tpu.memory_space<vmem>>, vector<16xi32>,
      %eq3A_135 = arith.constant 0 : i32
      %eq3A_136 = vector.broadcast %eq3A_135 : i32 to vector<16xi32>
      %eq3A_137 = arith.cmpi eq, %iota3A, %eq3A_136 : vector<16xi32>
      %eq3A_138 = arith.constant 1 : i32
      %eq3A_139 = vector.broadcast %eq3A_138 : i32 to vector<16xi32>
      %eq3A_140 = arith.cmpi eq, %iota3A, %eq3A_139 : vector<16xi32>
      %jit3A_141 = arith.constant 0.000000e+00 : f32
      %broadcast_in_dim3A_142 = vector.broadcast %jit3A_141 : f32 to vector<16xf32>
      %select_n3A_143 = arith.select %eq3A_140, %max3A_89, %broadcast_in_dim3A_142 : vector<16xi1>, vector<16xf32>
      %select_n3A_144 = arith.select %eq3A_137, %max3A_28, %select_n3A_143 : vector<16xi1>, vector<16xf32>
      %swap3A_145 = arith.constant 0 : index
      %swap3A_146 = tpu.vector_load %arg7[%swap3A_145] {strides = array<i32>} : memref<16xf32, #tpu.memory_space<vmem>>, vector<16xf32>,
      %swap3A_147 = vector.shape_cast %swap3A_146 : vector<16xf32> to vector<16xf32>
      %swap3A_148 = vector.shape_cast %select_n3A_144 : vector<16xf32> to vector<16xf32>
      tpu.vector_store %arg7[%swap3A_145], %swap3A_148 {strides = array<i32>} : memref<16xf32, #tpu.memory_space<vmem>>, vector<16xf32>,
      "tpu.region"() ({
        %run_scoped3A = tpu.sem_alloc : memref<!tpu.dma_semaphore, #tpu.memory_space<semaphore_mem>>
        tpu.enqueue_dma source(%arg6 : memref<16xi32, #tpu.memory_space<vmem>>) target(%arg3 : memref<16xi32, #tpu.memory_space<hbm>>) target_semaphore(%run_scoped3A : memref<!tpu.dma_semaphore, #tpu.memory_space<semaphore_mem>>)
        tpu.wait_dma2 semaphore(%run_scoped3A : memref<!tpu.dma_semaphore, #tpu.memory_space<semaphore_mem>>) src(%arg6 : memref<16xi32, #tpu.memory_space<vmem>>) dst(%arg3 : memref<16xi32, #tpu.memory_space<hbm>>)
        tpu.yield
      }) : () -> ()
      "tpu.region"() ({
        %run_scoped3A = tpu.sem_alloc : memref<!tpu.dma_semaphore, #tpu.memory_space<semaphore_mem>>
        tpu.enqueue_dma source(%arg7 : memref<16xf32, #tpu.memory_space<vmem>>) target(%arg4 : memref<16xf32, #tpu.memory_space<hbm>>) target_semaphore(%run_scoped3A : memref<!tpu.dma_semaphore, #tpu.memory_space<semaphore_mem>>)
        tpu.wait_dma2 semaphore(%run_scoped3A : memref<!tpu.dma_semaphore, #tpu.memory_space<semaphore_mem>>) src(%arg7 : memref<16xf32, #tpu.memory_space<vmem>>) dst(%arg4 : memref<16xf32, #tpu.memory_space<hbm>>)
        tpu.yield
      }) : () -> ()
    } else {
    }
    return
  }
}

module attributes {stable_mosaic.version = 14 : i64} {
  func.func @_ln1_router_body(%arg0: i32, %arg1: memref<256x1024xf32, #tpu.memory_space<vmem>>, %arg2: memref<1x1024xf32, #tpu.memory_space<vmem>>, %arg3: memref<1x1024xf32, #tpu.memory_space<vmem>>, %arg4: memref<1024x2xf32, #tpu.memory_space<vmem>>, %arg5: memref<1x2xf32, #tpu.memory_space<vmem>>, %arg6: memref<256x1024xf32, #tpu.memory_space<vmem>>, %arg7: memref<1x2xf32, #tpu.memory_space<vmem>>, %arg8: memref<1x2xf32, #tpu.memory_space<vmem>>) attributes {dimension_semantics = [#tpu.dimension_semantics<arbitrary>], iteration_bounds = array<i64: 8>, scalar_prefetch = 0 : i64, scratch_operands = 1 : i64, tpu.core_type = #tpu.core_type<tc>, window_params = [{transform_indices = @transform_0, window_bounds = array<i64: 256, 1024>}, {pipeline_mode = #tpu.pipeline_mode<synchronous>, transform_indices = @transform_1, window_bounds = array<i64: 1, 1024>}, {pipeline_mode = #tpu.pipeline_mode<synchronous>, transform_indices = @transform_2, window_bounds = array<i64: 1, 1024>}, {pipeline_mode = #tpu.pipeline_mode<synchronous>, transform_indices = @transform_3, window_bounds = array<i64: 1024, 2>}, {pipeline_mode = #tpu.pipeline_mode<synchronous>, transform_indices = @transform_4, window_bounds = array<i64: 1, 2>}, {transform_indices = @transform_5, window_bounds = array<i64: 256, 1024>}, {pipeline_mode = #tpu.pipeline_mode<synchronous>, transform_indices = @transform_6, window_bounds = array<i64: 1, 2>}]} {
    %get3A = arith.constant 0 : index
    %get3A_0 = arith.constant 0 : index
    %get3A_1 = vector.load %arg1[%get3A, %get3A_0] : memref<256x1024xf32, #tpu.memory_space<vmem>>, vector<256x1024xf32>
    %reduce_sum3A = arith.constant dense<0.000000e+00> : vector<256xf32>
    %reduce_sum3A_2 = vector.multi_reduction <add>, %get3A_1, %reduce_sum3A [1] : vector<256x1024xf32> to vector<256xf32>
    %broadcast_in_dim3A = vector.shape_cast %reduce_sum3A_2 : vector<256xf32> to vector<256x1xf32>
    %div3A = arith.constant 1.024000e+03 : f32
    %div3A_3 = vector.broadcast %div3A : f32 to vector<256x1xf32>
    %div3A_4 = arith.divf %broadcast_in_dim3A, %div3A_3 : vector<256x1xf32>
    %sub3A = vector.broadcast %div3A_4 : vector<256x1xf32> to vector<256x1024xf32>
    %sub3A_5 = arith.subf %get3A_1, %sub3A : vector<256x1024xf32>
    %square3A = arith.mulf %sub3A_5, %sub3A_5 : vector<256x1024xf32>
    %reduce_sum3A_6 = arith.constant dense<0.000000e+00> : vector<256xf32>
    %reduce_sum3A_7 = vector.multi_reduction <add>, %square3A, %reduce_sum3A_6 [1] : vector<256x1024xf32> to vector<256xf32>
    %broadcast_in_dim3A_8 = vector.shape_cast %reduce_sum3A_7 : vector<256xf32> to vector<256x1xf32>
    %div3A_9 = arith.constant 1.024000e+03 : f32
    %div3A_10 = vector.broadcast %div3A_9 : f32 to vector<256x1xf32>
    %div3A_11 = arith.divf %broadcast_in_dim3A_8, %div3A_10 : vector<256x1xf32>
    %sub3A_12 = vector.broadcast %div3A_4 : vector<256x1xf32> to vector<256x1024xf32>
    %sub3A_13 = arith.subf %get3A_1, %sub3A_12 : vector<256x1024xf32>
    %add3A = arith.constant 9.99999997E-7 : f32
    %add3A_14 = vector.broadcast %add3A : f32 to vector<256x1xf32>
    %add3A_15 = arith.addf %div3A_11, %add3A_14 : vector<256x1xf32>
    %sqrt3A = math.sqrt %add3A_15 : vector<256x1xf32>
    %div3A_16 = vector.broadcast %sqrt3A : vector<256x1xf32> to vector<256x1024xf32>
    %div3A_17 = arith.divf %sub3A_13, %div3A_16 : vector<256x1024xf32>
    %get3A_18 = arith.constant 0 : index
    %get3A_19 = arith.constant 0 : index
    %get3A_20 = vector.load %arg2[%get3A_18, %get3A_19] : memref<1x1024xf32, #tpu.memory_space<vmem>>, vector<1x1024xf32>
    %mul3A = vector.broadcast %get3A_20 : vector<1x1024xf32> to vector<256x1024xf32>
    %mul3A_21 = arith.mulf %div3A_17, %mul3A : vector<256x1024xf32>
    %get3A_22 = arith.constant 0 : index
    %get3A_23 = arith.constant 0 : index
    %get3A_24 = vector.load %arg3[%get3A_22, %get3A_23] : memref<1x1024xf32, #tpu.memory_space<vmem>>, vector<1x1024xf32>
    %add3A_25 = vector.broadcast %get3A_24 : vector<1x1024xf32> to vector<256x1024xf32>
    %add3A_26 = arith.addf %mul3A_21, %add3A_25 : vector<256x1024xf32>
    %swap3A = arith.constant 0 : index
    %swap3A_27 = arith.constant 0 : index
    %swap3A_28 = vector.load %arg6[%swap3A, %swap3A_27] : memref<256x1024xf32, #tpu.memory_space<vmem>>, vector<256x1024xf32>
    tpu.vector_store %arg6[%swap3A, %swap3A_27], %add3A_26 {strides = array<i32>} : memref<256x1024xf32, #tpu.memory_space<vmem>>, vector<256x1024xf32>,
    %reduce_sum3A_29 = arith.constant dense<0.000000e+00> : vector<1024xf32>
    %reduce_sum3A_30 = vector.multi_reduction <add>, %add3A_26, %reduce_sum3A_29 [0] : vector<256x1024xf32> to vector<1024xf32>
    %broadcast_in_dim3A_31 = vector.shape_cast %reduce_sum3A_30 : vector<1024xf32> to vector<1x1024xf32>
    %get3A_32 = arith.constant 0 : index
    %get3A_33 = arith.constant 0 : index
    %get3A_34 = vector.load %arg4[%get3A_32, %get3A_33] : memref<1024x2xf32, #tpu.memory_space<vmem>>, vector<1024x2xf32>
    %dot_general3A = arith.constant dense<0.000000e+00> : vector<1x2xf32>
    %dot_general3A_35 = tpu.matmul %broadcast_in_dim3A_31, %get3A_34, %dot_general3A {dimension_numbers = #tpu.dot_dimension_numbers<[1], [0], [0], [1], [0, 0, 1, 1], [], []>, transpose_lhs_hint = false} : vector<1x1024xf32>, vector<1024x2xf32>, vector<1x2xf32> -> vector<1x2xf32>
    %eq3A = arith.constant 0 : i32
    %eq3A_36 = arith.cmpi eq, %arg0, %eq3A : i32
    %convert_element_type3A = arith.extui %eq3A_36 : i1 to i32
    %cond3A = arith.constant 0 : i32
    %cond3A_37 = arith.cmpi ne, %convert_element_type3A, %cond3A : i32
    scf.if %cond3A_37 {
      %swap3A_47 = arith.constant 0 : index
      %swap3A_48 = arith.constant 0 : index
      %swap3A_49 = vector.load %arg8[%swap3A_47, %swap3A_48] : memref<1x2xf32, #tpu.memory_space<vmem>>, vector<1x2xf32>
      tpu.vector_store %arg8[%swap3A_47, %swap3A_48], %dot_general3A_35 {strides = array<i32>} : memref<1x2xf32, #tpu.memory_space<vmem>>, vector<1x2xf32>,
    } else {
    }
    %gt3A = arith.constant 0 : i32
    %gt3A_38 = arith.cmpi sgt, %arg0, %gt3A : i32
    %convert_element_type3A_39 = arith.extui %gt3A_38 : i1 to i32
    %cond3A_40 = arith.constant 0 : i32
    %cond3A_41 = arith.cmpi ne, %convert_element_type3A_39, %cond3A_40 : i32
    scf.if %cond3A_41 {
      %get3A_47 = arith.constant 0 : index
      %get3A_48 = arith.constant 0 : index
      %get3A_49 = vector.load %arg8[%get3A_47, %get3A_48] : memref<1x2xf32, #tpu.memory_space<vmem>>, vector<1x2xf32>
      %add3A_50 = arith.addf %get3A_49, %dot_general3A_35 : vector<1x2xf32>
      %swap3A_51 = arith.constant 0 : index
      %swap3A_52 = arith.constant 0 : index
      %swap3A_53 = vector.load %arg8[%swap3A_51, %swap3A_52] : memref<1x2xf32, #tpu.memory_space<vmem>>, vector<1x2xf32>
      tpu.vector_store %arg8[%swap3A_51, %swap3A_52], %add3A_50 {strides = array<i32>} : memref<1x2xf32, #tpu.memory_space<vmem>>, vector<1x2xf32>,
    } else {
    }
    %eq3A_42 = arith.constant 7 : i32
    %eq3A_43 = arith.cmpi eq, %arg0, %eq3A_42 : i32
    %convert_element_type3A_44 = arith.extui %eq3A_43 : i1 to i32
    %cond3A_45 = arith.constant 0 : i32
    %cond3A_46 = arith.cmpi ne, %convert_element_type3A_44, %cond3A_45 : i32
    scf.if %cond3A_46 {
      %get3A_47 = arith.constant 0 : index
      %get3A_48 = arith.constant 0 : index
      %get3A_49 = vector.load %arg8[%get3A_47, %get3A_48] : memref<1x2xf32, #tpu.memory_space<vmem>>, vector<1x2xf32>
      %div3A_50 = arith.constant 2.048000e+03 : f32
      %div3A_51 = vector.broadcast %div3A_50 : f32 to vector<1x2xf32>
      %div3A_52 = arith.divf %get3A_49, %div3A_51 : vector<1x2xf32>
      %get3A_53 = arith.constant 0 : index
      %get3A_54 = arith.constant 0 : index
      %get3A_55 = vector.load %arg5[%get3A_53, %get3A_54] : memref<1x2xf32, #tpu.memory_space<vmem>>, vector<1x2xf32>
      %add3A_56 = arith.addf %div3A_52, %get3A_55 : vector<1x2xf32>
      %reduce_max3A = arith.constant dense<0xFF800000> : vector<1xf32>
      %reduce_max3A_57 = vector.multi_reduction <maximumf>, %add3A_56, %reduce_max3A [1] : vector<1x2xf32> to vector<1xf32>
      %broadcast_in_dim3A_58 = vector.shape_cast %reduce_max3A_57 : vector<1xf32> to vector<1x1xf32>
      %sub3A_59 = vector.broadcast %broadcast_in_dim3A_58 : vector<1x1xf32> to vector<1x2xf32>
      %sub3A_60 = arith.subf %add3A_56, %sub3A_59 : vector<1x2xf32>
      %exp3A = math.exp %sub3A_60 : vector<1x2xf32>
      %reduce_sum3A_61 = arith.constant dense<0.000000e+00> : vector<1xf32>
      %reduce_sum3A_62 = vector.multi_reduction <add>, %exp3A, %reduce_sum3A_61 [1] : vector<1x2xf32> to vector<1xf32>
      %broadcast_in_dim3A_63 = vector.shape_cast %reduce_sum3A_62 : vector<1xf32> to vector<1x1xf32>
      %div3A_64 = vector.broadcast %broadcast_in_dim3A_63 : vector<1x1xf32> to vector<1x2xf32>
      %div3A_65 = arith.divf %exp3A, %div3A_64 : vector<1x2xf32>
      %swap3A_66 = arith.constant 0 : index
      %swap3A_67 = arith.constant 0 : index
      %swap3A_68 = vector.load %arg7[%swap3A_66, %swap3A_67] : memref<1x2xf32, #tpu.memory_space<vmem>>, vector<1x2xf32>
      tpu.vector_store %arg7[%swap3A_66, %swap3A_67], %div3A_65 {strides = array<i32>} : memref<1x2xf32, #tpu.memory_space<vmem>>, vector<1x2xf32>,
    } else {
    }
    return
  }
  func.func @transform_0(%arg0: i32) -> (i32, i32) {
    %c0_i32 = arith.constant 0 : i32
    %c0_i32_0 = arith.constant 0 : i32
    return %arg0, %c0_i32 : i32, i32
  }
  func.func @transform_1(%arg0: i32) -> (i32, i32) {
    %c0_i32 = arith.constant 0 : i32
    %c0_i32_0 = arith.constant 0 : i32
    %c0_i32_1 = arith.constant 0 : i32
    return %c0_i32, %c0_i32_0 : i32, i32
  }
  func.func @transform_2(%arg0: i32) -> (i32, i32) {
    %c0_i32 = arith.constant 0 : i32
    %c0_i32_0 = arith.constant 0 : i32
    %c0_i32_1 = arith.constant 0 : i32
    return %c0_i32, %c0_i32_0 : i32, i32
  }
  func.func @transform_3(%arg0: i32) -> (i32, i32) {
    %c0_i32 = arith.constant 0 : i32
    %c0_i32_0 = arith.constant 0 : i32
    %c0_i32_1 = arith.constant 0 : i32
    return %c0_i32, %c0_i32_0 : i32, i32
  }
  func.func @transform_4(%arg0: i32) -> (i32, i32) {
    %c0_i32 = arith.constant 0 : i32
    %c0_i32_0 = arith.constant 0 : i32
    %c0_i32_1 = arith.constant 0 : i32
    return %c0_i32, %c0_i32_0 : i32, i32
  }
  func.func @transform_5(%arg0: i32) -> (i32, i32) {
    %c0_i32 = arith.constant 0 : i32
    %c0_i32_0 = arith.constant 0 : i32
    return %arg0, %c0_i32 : i32, i32
  }
  func.func @transform_6(%arg0: i32) -> (i32, i32) {
    %c0_i32 = arith.constant 0 : i32
    %c0_i32_0 = arith.constant 0 : i32
    %c0_i32_1 = arith.constant 0 : i32
    return %c0_i32, %c0_i32_0 : i32, i32
  }
}

module attributes {stable_mosaic.version = 14 : i64} {
  func.func @_qkv_body(%arg0: i32, %arg1: i32, %arg2: memref<2048x1024xf32, #tpu.memory_space<vmem>>, %arg3: memref<1x1024x256xf32, #tpu.memory_space<vmem>>, %arg4: memref<1x1024x256xf32, #tpu.memory_space<vmem>>, %arg5: memref<1x1024x256xf32, #tpu.memory_space<vmem>>, %arg6: memref<1x1x256xf32, #tpu.memory_space<vmem>>, %arg7: memref<1x1x256xf32, #tpu.memory_space<vmem>>, %arg8: memref<1x1x256xf32, #tpu.memory_space<vmem>>, %arg9: memref<1x2048x256xf32, #tpu.memory_space<vmem>>, %arg10: memref<1x2048x256xf32, #tpu.memory_space<vmem>>, %arg11: memref<1x2048x256xf32, #tpu.memory_space<vmem>>) attributes {dimension_semantics = [#tpu.dimension_semantics<parallel>, #tpu.dimension_semantics<parallel>], iteration_bounds = array<i64: 2, 4>, scalar_prefetch = 0 : i64, scratch_operands = 0 : i64, tpu.core_type = #tpu.core_type<tc>, window_params = [{pipeline_mode = #tpu.pipeline_mode<synchronous>, transform_indices = @transform_0, window_bounds = array<i64: 2048, 1024>}, {transform_indices = @transform_1, window_bounds = array<i64: 1, 1024, 256>}, {transform_indices = @transform_2, window_bounds = array<i64: 1, 1024, 256>}, {transform_indices = @transform_3, window_bounds = array<i64: 1, 1024, 256>}, {transform_indices = @transform_4, window_bounds = array<i64: 1, 1, 256>}, {transform_indices = @transform_5, window_bounds = array<i64: 1, 1, 256>}, {transform_indices = @transform_6, window_bounds = array<i64: 1, 1, 256>}, {transform_indices = @transform_7, window_bounds = array<i64: 1, 2048, 256>}, {transform_indices = @transform_8, window_bounds = array<i64: 1, 2048, 256>}, {transform_indices = @transform_9, window_bounds = array<i64: 1, 2048, 256>}]} {
    %get3A = arith.constant 0 : index
    %get3A_0 = arith.constant 0 : index
    %get3A_1 = vector.load %arg2[%get3A, %get3A_0] : memref<2048x1024xf32, #tpu.memory_space<vmem>>, vector<2048x1024xf32>
    %get3A_2 = arith.constant 0 : index
    %get3A_3 = arith.constant 0 : index
    %get3A_4 = arith.constant 0 : index
    %get3A_5 = vector.load %arg3[%get3A_2, %get3A_3, %get3A_4] : memref<1x1024x256xf32, #tpu.memory_space<vmem>>, vector<1x1024x256xf32>
    %get3A_6 = vector.shape_cast %get3A_5 : vector<1x1024x256xf32> to vector<1024x256xf32>
    %dot_general3A = arith.constant dense<0.000000e+00> : vector<2048x256xf32>
    %dot_general3A_7 = tpu.matmul %get3A_1, %get3A_6, %dot_general3A {dimension_numbers = #tpu.dot_dimension_numbers<[1], [0], [0], [1], [0, 0, 1, 1], [], []>, transpose_lhs_hint = false} : vector<2048x1024xf32>, vector<1024x256xf32>, vector<2048x256xf32> -> vector<2048x256xf32>
    %get3A_8 = arith.constant 0 : index
    %get3A_9 = arith.constant 0 : index
    %get3A_10 = arith.constant 0 : index
    %get3A_11 = vector.load %arg6[%get3A_8, %get3A_9, %get3A_10] : memref<1x1x256xf32, #tpu.memory_space<vmem>>, vector<1x1x256xf32>
    %get3A_12 = vector.shape_cast %get3A_11 : vector<1x1x256xf32> to vector<1x256xf32>
    %add3A = vector.broadcast %get3A_12 : vector<1x256xf32> to vector<2048x256xf32>
    %add3A_13 = arith.addf %dot_general3A_7, %add3A : vector<2048x256xf32>
    %swap3A = arith.constant 0 : index
    %swap3A_14 = arith.constant 0 : index
    %swap3A_15 = arith.constant 0 : index
    %swap3A_16 = vector.load %arg9[%swap3A, %swap3A_14, %swap3A_15] : memref<1x2048x256xf32, #tpu.memory_space<vmem>>, vector<1x2048x256xf32>
    %swap3A_17 = vector.shape_cast %swap3A_16 : vector<1x2048x256xf32> to vector<2048x256xf32>
    %swap3A_18 = vector.shape_cast %add3A_13 : vector<2048x256xf32> to vector<1x2048x256xf32>
    tpu.vector_store %arg9[%swap3A, %swap3A_14, %swap3A_15], %swap3A_18 {strides = array<i32>} : memref<1x2048x256xf32, #tpu.memory_space<vmem>>, vector<1x2048x256xf32>,
    %get3A_19 = arith.constant 0 : index
    %get3A_20 = arith.constant 0 : index
    %get3A_21 = arith.constant 0 : index
    %get3A_22 = vector.load %arg4[%get3A_19, %get3A_20, %get3A_21] : memref<1x1024x256xf32, #tpu.memory_space<vmem>>, vector<1x1024x256xf32>
    %get3A_23 = vector.shape_cast %get3A_22 : vector<1x1024x256xf32> to vector<1024x256xf32>
    %dot_general3A_24 = arith.constant dense<0.000000e+00> : vector<2048x256xf32>
    %dot_general3A_25 = tpu.matmul %get3A_1, %get3A_23, %dot_general3A_24 {dimension_numbers = #tpu.dot_dimension_numbers<[1], [0], [0], [1], [0, 0, 1, 1], [], []>, transpose_lhs_hint = false} : vector<2048x1024xf32>, vector<1024x256xf32>, vector<2048x256xf32> -> vector<2048x256xf32>
    %get3A_26 = arith.constant 0 : index
    %get3A_27 = arith.constant 0 : index
    %get3A_28 = arith.constant 0 : index
    %get3A_29 = vector.load %arg7[%get3A_26, %get3A_27, %get3A_28] : memref<1x1x256xf32, #tpu.memory_space<vmem>>, vector<1x1x256xf32>
    %get3A_30 = vector.shape_cast %get3A_29 : vector<1x1x256xf32> to vector<1x256xf32>
    %add3A_31 = vector.broadcast %get3A_30 : vector<1x256xf32> to vector<2048x256xf32>
    %add3A_32 = arith.addf %dot_general3A_25, %add3A_31 : vector<2048x256xf32>
    %swap3A_33 = arith.constant 0 : index
    %swap3A_34 = arith.constant 0 : index
    %swap3A_35 = arith.constant 0 : index
    %swap3A_36 = vector.load %arg10[%swap3A_33, %swap3A_34, %swap3A_35] : memref<1x2048x256xf32, #tpu.memory_space<vmem>>, vector<1x2048x256xf32>
    %swap3A_37 = vector.shape_cast %swap3A_36 : vector<1x2048x256xf32> to vector<2048x256xf32>
    %swap3A_38 = vector.shape_cast %add3A_32 : vector<2048x256xf32> to vector<1x2048x256xf32>
    tpu.vector_store %arg10[%swap3A_33, %swap3A_34, %swap3A_35], %swap3A_38 {strides = array<i32>} : memref<1x2048x256xf32, #tpu.memory_space<vmem>>, vector<1x2048x256xf32>,
    %get3A_39 = arith.constant 0 : index
    %get3A_40 = arith.constant 0 : index
    %get3A_41 = arith.constant 0 : index
    %get3A_42 = vector.load %arg5[%get3A_39, %get3A_40, %get3A_41] : memref<1x1024x256xf32, #tpu.memory_space<vmem>>, vector<1x1024x256xf32>
    %get3A_43 = vector.shape_cast %get3A_42 : vector<1x1024x256xf32> to vector<1024x256xf32>
    %dot_general3A_44 = arith.constant dense<0.000000e+00> : vector<2048x256xf32>
    %dot_general3A_45 = tpu.matmul %get3A_1, %get3A_43, %dot_general3A_44 {dimension_numbers = #tpu.dot_dimension_numbers<[1], [0], [0], [1], [0, 0, 1, 1], [], []>, transpose_lhs_hint = false} : vector<2048x1024xf32>, vector<1024x256xf32>, vector<2048x256xf32> -> vector<2048x256xf32>
    %get3A_46 = arith.constant 0 : index
    %get3A_47 = arith.constant 0 : index
    %get3A_48 = arith.constant 0 : index
    %get3A_49 = vector.load %arg8[%get3A_46, %get3A_47, %get3A_48] : memref<1x1x256xf32, #tpu.memory_space<vmem>>, vector<1x1x256xf32>
    %get3A_50 = vector.shape_cast %get3A_49 : vector<1x1x256xf32> to vector<1x256xf32>
    %add3A_51 = vector.broadcast %get3A_50 : vector<1x256xf32> to vector<2048x256xf32>
    %add3A_52 = arith.addf %dot_general3A_45, %add3A_51 : vector<2048x256xf32>
    %swap3A_53 = arith.constant 0 : index
    %swap3A_54 = arith.constant 0 : index
    %swap3A_55 = arith.constant 0 : index
    %swap3A_56 = vector.load %arg11[%swap3A_53, %swap3A_54, %swap3A_55] : memref<1x2048x256xf32, #tpu.memory_space<vmem>>, vector<1x2048x256xf32>
    %swap3A_57 = vector.shape_cast %swap3A_56 : vector<1x2048x256xf32> to vector<2048x256xf32>
    %swap3A_58 = vector.shape_cast %add3A_52 : vector<2048x256xf32> to vector<1x2048x256xf32>
    tpu.vector_store %arg11[%swap3A_53, %swap3A_54, %swap3A_55], %swap3A_58 {strides = array<i32>} : memref<1x2048x256xf32, #tpu.memory_space<vmem>>, vector<1x2048x256xf32>,
    return
  }
  func.func @transform_0(%arg0: i32, %arg1: i32) -> (i32, i32) {
    %c0_i32 = arith.constant 0 : i32
    %c0_i32_0 = arith.constant 0 : i32
    %c0_i32_1 = arith.constant 0 : i32
    return %c0_i32, %c0_i32_0 : i32, i32
  }
  func.func @transform_1(%arg0: i32, %arg1: i32) -> (i32, i32, i32) {
    %c0_i32 = arith.constant 0 : i32
    %c0_i32_0 = arith.constant 0 : i32
    return %arg0, %c0_i32, %arg1 : i32, i32, i32
  }
  func.func @transform_2(%arg0: i32, %arg1: i32) -> (i32, i32, i32) {
    %c0_i32 = arith.constant 0 : i32
    %c0_i32_0 = arith.constant 0 : i32
    return %arg0, %c0_i32, %arg1 : i32, i32, i32
  }
  func.func @transform_3(%arg0: i32, %arg1: i32) -> (i32, i32, i32) {
    %c0_i32 = arith.constant 0 : i32
    %c0_i32_0 = arith.constant 0 : i32
    return %arg0, %c0_i32, %arg1 : i32, i32, i32
  }
  func.func @transform_4(%arg0: i32, %arg1: i32) -> (i32, i32, i32) {
    %c0_i32 = arith.constant 0 : i32
    %c0_i32_0 = arith.constant 0 : i32
    return %arg0, %c0_i32, %arg1 : i32, i32, i32
  }
  func.func @transform_5(%arg0: i32, %arg1: i32) -> (i32, i32, i32) {
    %c0_i32 = arith.constant 0 : i32
    %c0_i32_0 = arith.constant 0 : i32
    return %arg0, %c0_i32, %arg1 : i32, i32, i32
  }
  func.func @transform_6(%arg0: i32, %arg1: i32) -> (i32, i32, i32) {
    %c0_i32 = arith.constant 0 : i32
    %c0_i32_0 = arith.constant 0 : i32
    return %arg0, %c0_i32, %arg1 : i32, i32, i32
  }
  func.func @transform_7(%arg0: i32, %arg1: i32) -> (i32, i32, i32) {
    %c0_i32 = arith.constant 0 : i32
    %c0_i32_0 = arith.constant 0 : i32
    return %arg0, %c0_i32, %arg1 : i32, i32, i32
  }
  func.func @transform_8(%arg0: i32, %arg1: i32) -> (i32, i32, i32) {
    %c0_i32 = arith.constant 0 : i32
    %c0_i32_0 = arith.constant 0 : i32
    return %arg0, %c0_i32, %arg1 : i32, i32, i32
  }
  func.func @transform_9(%arg0: i32, %arg1: i32) -> (i32, i32, i32) {
    %c0_i32 = arith.constant 0 : i32
    %c0_i32_0 = arith.constant 0 : i32
    return %arg0, %c0_i32, %arg1 : i32, i32, i32
  }
}

module attributes {stable_mosaic.version = 14 : i64} {
  func.func @_attn_body(%arg0: i32, %arg1: i32, %arg2: memref<1x2048x128xf32, #tpu.memory_space<vmem>>, %arg3: memref<1x2048x128xf32, #tpu.memory_space<vmem>>, %arg4: memref<1x2048x128xf32, #tpu.memory_space<vmem>>, %arg5: memref<1x2048x128xf32, #tpu.memory_space<vmem>>) attributes {dimension_semantics = [#tpu.dimension_semantics<parallel>, #tpu.dimension_semantics<parallel>], iteration_bounds = array<i64: 2, 8>, scalar_prefetch = 0 : i64, scratch_operands = 0 : i64, tpu.core_type = #tpu.core_type<tc>, window_params = [{transform_indices = @transform_0, window_bounds = array<i64: 1, 2048, 128>}, {transform_indices = @transform_1, window_bounds = array<i64: 1, 2048, 128>}, {transform_indices = @transform_2, window_bounds = array<i64: 1, 2048, 128>}, {transform_indices = @transform_3, window_bounds = array<i64: 1, 2048, 128>}]} {
    %get3A = arith.constant 0 : index
    %get3A_0 = arith.constant 0 : index
    %get3A_1 = arith.constant 0 : index
    %get3A_2 = vector.load %arg3[%get3A, %get3A_0, %get3A_1] : memref<1x2048x128xf32, #tpu.memory_space<vmem>>, vector<1x2048x64xf32>
    %get3A_3 = vector.shape_cast %get3A_2 : vector<1x2048x64xf32> to vector<2048x64xf32>
    %get3A_4 = arith.constant 0 : index
    %get3A_5 = arith.constant 0 : index
    %get3A_6 = arith.constant 0 : index
    %get3A_7 = vector.load %arg4[%get3A_4, %get3A_5, %get3A_6] : memref<1x2048x128xf32, #tpu.memory_space<vmem>>, vector<1x2048x64xf32>
    %get3A_8 = vector.shape_cast %get3A_7 : vector<1x2048x64xf32> to vector<2048x64xf32>
    %get3A_9 = arith.constant 0 : index
    %get3A_10 = arith.constant 0 : index
    %get3A_11 = arith.constant 0 : index
    %get3A_12 = vector.load %arg2[%get3A_9, %get3A_10, %get3A_11] : memref<1x2048x128xf32, #tpu.memory_space<vmem>>, vector<1x256x64xf32>
    %get3A_13 = vector.shape_cast %get3A_12 : vector<1x256x64xf32> to vector<256x64xf32>
    %mul3A = arith.constant 1.250000e-01 : f32
    %mul3A_14 = vector.broadcast %mul3A : f32 to vector<256x64xf32>
    %mul3A_15 = arith.mulf %get3A_13, %mul3A_14 : vector<256x64xf32>
    %dot_general3A = arith.constant dense<0.000000e+00> : vector<256x2048xf32>
    %dot_general3A_16 = tpu.matmul %mul3A_15, %get3A_3, %dot_general3A {dimension_numbers = #tpu.dot_dimension_numbers<[1], [1], [0], [0], [0, 0, 1, 0], [], []>, transpose_lhs_hint = false} : vector<256x64xf32>, vector<2048x64xf32>, vector<256x2048xf32> -> vector<256x2048xf32>
    %reduce_max3A = arith.constant dense<0xFF800000> : vector<256xf32>
    %reduce_max3A_17 = vector.multi_reduction <maximumf>, %dot_general3A_16, %reduce_max3A [1] : vector<256x2048xf32> to vector<256xf32>
    %broadcast_in_dim3A = vector.shape_cast %reduce_max3A_17 : vector<256xf32> to vector<256x1xf32>
    %sub3A = vector.broadcast %broadcast_in_dim3A : vector<256x1xf32> to vector<256x2048xf32>
    %sub3A_18 = arith.subf %dot_general3A_16, %sub3A : vector<256x2048xf32>
    %exp3A = math.exp %sub3A_18 : vector<256x2048xf32>
    %reduce_sum3A = arith.constant dense<0.000000e+00> : vector<256xf32>
    %reduce_sum3A_19 = vector.multi_reduction <add>, %exp3A, %reduce_sum3A [1] : vector<256x2048xf32> to vector<256xf32>
    %broadcast_in_dim3A_20 = vector.shape_cast %reduce_sum3A_19 : vector<256xf32> to vector<256x1xf32>
    %dot_general3A_21 = arith.constant dense<0.000000e+00> : vector<256x64xf32>
    %dot_general3A_22 = tpu.matmul %exp3A, %get3A_8, %dot_general3A_21 {dimension_numbers = #tpu.dot_dimension_numbers<[1], [0], [0], [1], [0, 0, 1, 1], [], []>, transpose_lhs_hint = false} : vector<256x2048xf32>, vector<2048x64xf32>, vector<256x64xf32> -> vector<256x64xf32>
    %div3A = arith.constant 1.000000e+00 : f32
    %div3A_23 = vector.broadcast %div3A : f32 to vector<256x1xf32>
    %div3A_24 = arith.divf %div3A_23, %broadcast_in_dim3A_20 : vector<256x1xf32>
    %mul3A_25 = vector.broadcast %div3A_24 : vector<256x1xf32> to vector<256x64xf32>
    %mul3A_26 = arith.mulf %dot_general3A_22, %mul3A_25 : vector<256x64xf32>
    %swap3A = arith.constant 0 : index
    %swap3A_27 = arith.constant 0 : index
    %swap3A_28 = arith.constant 0 : index
    %swap3A_29 = vector.load %arg5[%swap3A, %swap3A_27, %swap3A_28] : memref<1x2048x128xf32, #tpu.memory_space<vmem>>, vector<1x256x64xf32>
    %swap3A_30 = vector.shape_cast %swap3A_29 : vector<1x256x64xf32> to vector<256x64xf32>
    %swap3A_31 = vector.shape_cast %mul3A_26 : vector<256x64xf32> to vector<1x256x64xf32>
    tpu.vector_store %arg5[%swap3A, %swap3A_27, %swap3A_28], %swap3A_31 {strides = array<i32>} : memref<1x2048x128xf32, #tpu.memory_space<vmem>>, vector<1x256x64xf32>,
    %get3A_32 = arith.constant 0 : index
    %get3A_33 = arith.constant 256 : index
    %get3A_34 = arith.constant 0 : index
    %get3A_35 = vector.load %arg2[%get3A_32, %get3A_33, %get3A_34] : memref<1x2048x128xf32, #tpu.memory_space<vmem>>, vector<1x256x64xf32>
    %get3A_36 = vector.shape_cast %get3A_35 : vector<1x256x64xf32> to vector<256x64xf32>
    %mul3A_37 = arith.constant 1.250000e-01 : f32
    %mul3A_38 = vector.broadcast %mul3A_37 : f32 to vector<256x64xf32>
    %mul3A_39 = arith.mulf %get3A_36, %mul3A_38 : vector<256x64xf32>
    %dot_general3A_40 = arith.constant dense<0.000000e+00> : vector<256x2048xf32>
    %dot_general3A_41 = tpu.matmul %mul3A_39, %get3A_3, %dot_general3A_40 {dimension_numbers = #tpu.dot_dimension_numbers<[1], [1], [0], [0], [0, 0, 1, 0], [], []>, transpose_lhs_hint = false} : vector<256x64xf32>, vector<2048x64xf32>, vector<256x2048xf32> -> vector<256x2048xf32>
    %reduce_max3A_42 = arith.constant dense<0xFF800000> : vector<256xf32>
    %reduce_max3A_43 = vector.multi_reduction <maximumf>, %dot_general3A_41, %reduce_max3A_42 [1] : vector<256x2048xf32> to vector<256xf32>
    %broadcast_in_dim3A_44 = vector.shape_cast %reduce_max3A_43 : vector<256xf32> to vector<256x1xf32>
    %sub3A_45 = vector.broadcast %broadcast_in_dim3A_44 : vector<256x1xf32> to vector<256x2048xf32>
    %sub3A_46 = arith.subf %dot_general3A_41, %sub3A_45 : vector<256x2048xf32>
    %exp3A_47 = math.exp %sub3A_46 : vector<256x2048xf32>
    %reduce_sum3A_48 = arith.constant dense<0.000000e+00> : vector<256xf32>
    %reduce_sum3A_49 = vector.multi_reduction <add>, %exp3A_47, %reduce_sum3A_48 [1] : vector<256x2048xf32> to vector<256xf32>
    %broadcast_in_dim3A_50 = vector.shape_cast %reduce_sum3A_49 : vector<256xf32> to vector<256x1xf32>
    %dot_general3A_51 = arith.constant dense<0.000000e+00> : vector<256x64xf32>
    %dot_general3A_52 = tpu.matmul %exp3A_47, %get3A_8, %dot_general3A_51 {dimension_numbers = #tpu.dot_dimension_numbers<[1], [0], [0], [1], [0, 0, 1, 1], [], []>, transpose_lhs_hint = false} : vector<256x2048xf32>, vector<2048x64xf32>, vector<256x64xf32> -> vector<256x64xf32>
    %div3A_53 = arith.constant 1.000000e+00 : f32
    %div3A_54 = vector.broadcast %div3A_53 : f32 to vector<256x1xf32>
    %div3A_55 = arith.divf %div3A_54, %broadcast_in_dim3A_50 : vector<256x1xf32>
    %mul3A_56 = vector.broadcast %div3A_55 : vector<256x1xf32> to vector<256x64xf32>
    %mul3A_57 = arith.mulf %dot_general3A_52, %mul3A_56 : vector<256x64xf32>
    %swap3A_58 = arith.constant 0 : index
    %swap3A_59 = arith.constant 256 : index
    %swap3A_60 = arith.constant 0 : index
    %swap3A_61 = vector.load %arg5[%swap3A_58, %swap3A_59, %swap3A_60] : memref<1x2048x128xf32, #tpu.memory_space<vmem>>, vector<1x256x64xf32>
    %swap3A_62 = vector.shape_cast %swap3A_61 : vector<1x256x64xf32> to vector<256x64xf32>
    %swap3A_63 = vector.shape_cast %mul3A_57 : vector<256x64xf32> to vector<1x256x64xf32>
    tpu.vector_store %arg5[%swap3A_58, %swap3A_59, %swap3A_60], %swap3A_63 {strides = array<i32>} : memref<1x2048x128xf32, #tpu.memory_space<vmem>>, vector<1x256x64xf32>,
    %get3A_64 = arith.constant 0 : index
    %get3A_65 = arith.constant 512 : index
    %get3A_66 = arith.constant 0 : index
    %get3A_67 = vector.load %arg2[%get3A_64, %get3A_65, %get3A_66] : memref<1x2048x128xf32, #tpu.memory_space<vmem>>, vector<1x256x64xf32>
    %get3A_68 = vector.shape_cast %get3A_67 : vector<1x256x64xf32> to vector<256x64xf32>
    %mul3A_69 = arith.constant 1.250000e-01 : f32
    %mul3A_70 = vector.broadcast %mul3A_69 : f32 to vector<256x64xf32>
    %mul3A_71 = arith.mulf %get3A_68, %mul3A_70 : vector<256x64xf32>
    %dot_general3A_72 = arith.constant dense<0.000000e+00> : vector<256x2048xf32>
    %dot_general3A_73 = tpu.matmul %mul3A_71, %get3A_3, %dot_general3A_72 {dimension_numbers = #tpu.dot_dimension_numbers<[1], [1], [0], [0], [0, 0, 1, 0], [], []>, transpose_lhs_hint = false} : vector<256x64xf32>, vector<2048x64xf32>, vector<256x2048xf32> -> vector<256x2048xf32>
    %reduce_max3A_74 = arith.constant dense<0xFF800000> : vector<256xf32>
    %reduce_max3A_75 = vector.multi_reduction <maximumf>, %dot_general3A_73, %reduce_max3A_74 [1] : vector<256x2048xf32> to vector<256xf32>
    %broadcast_in_dim3A_76 = vector.shape_cast %reduce_max3A_75 : vector<256xf32> to vector<256x1xf32>
    %sub3A_77 = vector.broadcast %broadcast_in_dim3A_76 : vector<256x1xf32> to vector<256x2048xf32>
    %sub3A_78 = arith.subf %dot_general3A_73, %sub3A_77 : vector<256x2048xf32>
    %exp3A_79 = math.exp %sub3A_78 : vector<256x2048xf32>
    %reduce_sum3A_80 = arith.constant dense<0.000000e+00> : vector<256xf32>
    %reduce_sum3A_81 = vector.multi_reduction <add>, %exp3A_79, %reduce_sum3A_80 [1] : vector<256x2048xf32> to vector<256xf32>
    %broadcast_in_dim3A_82 = vector.shape_cast %reduce_sum3A_81 : vector<256xf32> to vector<256x1xf32>
    %dot_general3A_83 = arith.constant dense<0.000000e+00> : vector<256x64xf32>
    %dot_general3A_84 = tpu.matmul %exp3A_79, %get3A_8, %dot_general3A_83 {dimension_numbers = #tpu.dot_dimension_numbers<[1], [0], [0], [1], [0, 0, 1, 1], [], []>, transpose_lhs_hint = false} : vector<256x2048xf32>, vector<2048x64xf32>, vector<256x64xf32> -> vector<256x64xf32>
    %div3A_85 = arith.constant 1.000000e+00 : f32
    %div3A_86 = vector.broadcast %div3A_85 : f32 to vector<256x1xf32>
    %div3A_87 = arith.divf %div3A_86, %broadcast_in_dim3A_82 : vector<256x1xf32>
    %mul3A_88 = vector.broadcast %div3A_87 : vector<256x1xf32> to vector<256x64xf32>
    %mul3A_89 = arith.mulf %dot_general3A_84, %mul3A_88 : vector<256x64xf32>
    %swap3A_90 = arith.constant 0 : index
    %swap3A_91 = arith.constant 512 : index
    %swap3A_92 = arith.constant 0 : index
    %swap3A_93 = vector.load %arg5[%swap3A_90, %swap3A_91, %swap3A_92] : memref<1x2048x128xf32, #tpu.memory_space<vmem>>, vector<1x256x64xf32>
    %swap3A_94 = vector.shape_cast %swap3A_93 : vector<1x256x64xf32> to vector<256x64xf32>
    %swap3A_95 = vector.shape_cast %mul3A_89 : vector<256x64xf32> to vector<1x256x64xf32>
    tpu.vector_store %arg5[%swap3A_90, %swap3A_91, %swap3A_92], %swap3A_95 {strides = array<i32>} : memref<1x2048x128xf32, #tpu.memory_space<vmem>>, vector<1x256x64xf32>,
    %get3A_96 = arith.constant 0 : index
    %get3A_97 = arith.constant 768 : index
    %get3A_98 = arith.constant 0 : index
    %get3A_99 = vector.load %arg2[%get3A_96, %get3A_97, %get3A_98] : memref<1x2048x128xf32, #tpu.memory_space<vmem>>, vector<1x256x64xf32>
    %get3A_100 = vector.shape_cast %get3A_99 : vector<1x256x64xf32> to vector<256x64xf32>
    %mul3A_101 = arith.constant 1.250000e-01 : f32
    %mul3A_102 = vector.broadcast %mul3A_101 : f32 to vector<256x64xf32>
    %mul3A_103 = arith.mulf %get3A_100, %mul3A_102 : vector<256x64xf32>
    %dot_general3A_104 = arith.constant dense<0.000000e+00> : vector<256x2048xf32>
    %dot_general3A_105 = tpu.matmul %mul3A_103, %get3A_3, %dot_general3A_104 {dimension_numbers = #tpu.dot_dimension_numbers<[1], [1], [0], [0], [0, 0, 1, 0], [], []>, transpose_lhs_hint = false} : vector<256x64xf32>, vector<2048x64xf32>, vector<256x2048xf32> -> vector<256x2048xf32>
    %reduce_max3A_106 = arith.constant dense<0xFF800000> : vector<256xf32>
    %reduce_max3A_107 = vector.multi_reduction <maximumf>, %dot_general3A_105, %reduce_max3A_106 [1] : vector<256x2048xf32> to vector<256xf32>
    %broadcast_in_dim3A_108 = vector.shape_cast %reduce_max3A_107 : vector<256xf32> to vector<256x1xf32>
    %sub3A_109 = vector.broadcast %broadcast_in_dim3A_108 : vector<256x1xf32> to vector<256x2048xf32>
    %sub3A_110 = arith.subf %dot_general3A_105, %sub3A_109 : vector<256x2048xf32>
    %exp3A_111 = math.exp %sub3A_110 : vector<256x2048xf32>
    %reduce_sum3A_112 = arith.constant dense<0.000000e+00> : vector<256xf32>
    %reduce_sum3A_113 = vector.multi_reduction <add>, %exp3A_111, %reduce_sum3A_112 [1] : vector<256x2048xf32> to vector<256xf32>
    %broadcast_in_dim3A_114 = vector.shape_cast %reduce_sum3A_113 : vector<256xf32> to vector<256x1xf32>
    %dot_general3A_115 = arith.constant dense<0.000000e+00> : vector<256x64xf32>
    %dot_general3A_116 = tpu.matmul %exp3A_111, %get3A_8, %dot_general3A_115 {dimension_numbers = #tpu.dot_dimension_numbers<[1], [0], [0], [1], [0, 0, 1, 1], [], []>, transpose_lhs_hint = false} : vector<256x2048xf32>, vector<2048x64xf32>, vector<256x64xf32> -> vector<256x64xf32>
    %div3A_117 = arith.constant 1.000000e+00 : f32
    %div3A_118 = vector.broadcast %div3A_117 : f32 to vector<256x1xf32>
    %div3A_119 = arith.divf %div3A_118, %broadcast_in_dim3A_114 : vector<256x1xf32>
    %mul3A_120 = vector.broadcast %div3A_119 : vector<256x1xf32> to vector<256x64xf32>
    %mul3A_121 = arith.mulf %dot_general3A_116, %mul3A_120 : vector<256x64xf32>
    %swap3A_122 = arith.constant 0 : index
    %swap3A_123 = arith.constant 768 : index
    %swap3A_124 = arith.constant 0 : index
    %swap3A_125 = vector.load %arg5[%swap3A_122, %swap3A_123, %swap3A_124] : memref<1x2048x128xf32, #tpu.memory_space<vmem>>, vector<1x256x64xf32>
    %swap3A_126 = vector.shape_cast %swap3A_125 : vector<1x256x64xf32> to vector<256x64xf32>
    %swap3A_127 = vector.shape_cast %mul3A_121 : vector<256x64xf32> to vector<1x256x64xf32>
    tpu.vector_store %arg5[%swap3A_122, %swap3A_123, %swap3A_124], %swap3A_127 {strides = array<i32>} : memref<1x2048x128xf32, #tpu.memory_space<vmem>>, vector<1x256x64xf32>,
    %get3A_128 = arith.constant 0 : index
    %get3A_129 = arith.constant 1024 : index
    %get3A_130 = arith.constant 0 : index
    %get3A_131 = vector.load %arg2[%get3A_128, %get3A_129, %get3A_130] : memref<1x2048x128xf32, #tpu.memory_space<vmem>>, vector<1x256x64xf32>
    %get3A_132 = vector.shape_cast %get3A_131 : vector<1x256x64xf32> to vector<256x64xf32>
    %mul3A_133 = arith.constant 1.250000e-01 : f32
    %mul3A_134 = vector.broadcast %mul3A_133 : f32 to vector<256x64xf32>
    %mul3A_135 = arith.mulf %get3A_132, %mul3A_134 : vector<256x64xf32>
    %dot_general3A_136 = arith.constant dense<0.000000e+00> : vector<256x2048xf32>
    %dot_general3A_137 = tpu.matmul %mul3A_135, %get3A_3, %dot_general3A_136 {dimension_numbers = #tpu.dot_dimension_numbers<[1], [1], [0], [0], [0, 0, 1, 0], [], []>, transpose_lhs_hint = false} : vector<256x64xf32>, vector<2048x64xf32>, vector<256x2048xf32> -> vector<256x2048xf32>
    %reduce_max3A_138 = arith.constant dense<0xFF800000> : vector<256xf32>
    %reduce_max3A_139 = vector.multi_reduction <maximumf>, %dot_general3A_137, %reduce_max3A_138 [1] : vector<256x2048xf32> to vector<256xf32>
    %broadcast_in_dim3A_140 = vector.shape_cast %reduce_max3A_139 : vector<256xf32> to vector<256x1xf32>
    %sub3A_141 = vector.broadcast %broadcast_in_dim3A_140 : vector<256x1xf32> to vector<256x2048xf32>
    %sub3A_142 = arith.subf %dot_general3A_137, %sub3A_141 : vector<256x2048xf32>
    %exp3A_143 = math.exp %sub3A_142 : vector<256x2048xf32>
    %reduce_sum3A_144 = arith.constant dense<0.000000e+00> : vector<256xf32>
    %reduce_sum3A_145 = vector.multi_reduction <add>, %exp3A_143, %reduce_sum3A_144 [1] : vector<256x2048xf32> to vector<256xf32>
    %broadcast_in_dim3A_146 = vector.shape_cast %reduce_sum3A_145 : vector<256xf32> to vector<256x1xf32>
    %dot_general3A_147 = arith.constant dense<0.000000e+00> : vector<256x64xf32>
    %dot_general3A_148 = tpu.matmul %exp3A_143, %get3A_8, %dot_general3A_147 {dimension_numbers = #tpu.dot_dimension_numbers<[1], [0], [0], [1], [0, 0, 1, 1], [], []>, transpose_lhs_hint = false} : vector<256x2048xf32>, vector<2048x64xf32>, vector<256x64xf32> -> vector<256x64xf32>
    %div3A_149 = arith.constant 1.000000e+00 : f32
    %div3A_150 = vector.broadcast %div3A_149 : f32 to vector<256x1xf32>
    %div3A_151 = arith.divf %div3A_150, %broadcast_in_dim3A_146 : vector<256x1xf32>
    %mul3A_152 = vector.broadcast %div3A_151 : vector<256x1xf32> to vector<256x64xf32>
    %mul3A_153 = arith.mulf %dot_general3A_148, %mul3A_152 : vector<256x64xf32>
    %swap3A_154 = arith.constant 0 : index
    %swap3A_155 = arith.constant 1024 : index
    %swap3A_156 = arith.constant 0 : index
    %swap3A_157 = vector.load %arg5[%swap3A_154, %swap3A_155, %swap3A_156] : memref<1x2048x128xf32, #tpu.memory_space<vmem>>, vector<1x256x64xf32>
    %swap3A_158 = vector.shape_cast %swap3A_157 : vector<1x256x64xf32> to vector<256x64xf32>
    %swap3A_159 = vector.shape_cast %mul3A_153 : vector<256x64xf32> to vector<1x256x64xf32>
    tpu.vector_store %arg5[%swap3A_154, %swap3A_155, %swap3A_156], %swap3A_159 {strides = array<i32>} : memref<1x2048x128xf32, #tpu.memory_space<vmem>>, vector<1x256x64xf32>,
    %get3A_160 = arith.constant 0 : index
    %get3A_161 = arith.constant 1280 : index
    %get3A_162 = arith.constant 0 : index
    %get3A_163 = vector.load %arg2[%get3A_160, %get3A_161, %get3A_162] : memref<1x2048x128xf32, #tpu.memory_space<vmem>>, vector<1x256x64xf32>
    %get3A_164 = vector.shape_cast %get3A_163 : vector<1x256x64xf32> to vector<256x64xf32>
    %mul3A_165 = arith.constant 1.250000e-01 : f32
    %mul3A_166 = vector.broadcast %mul3A_165 : f32 to vector<256x64xf32>
    %mul3A_167 = arith.mulf %get3A_164, %mul3A_166 : vector<256x64xf32>
    %dot_general3A_168 = arith.constant dense<0.000000e+00> : vector<256x2048xf32>
    %dot_general3A_169 = tpu.matmul %mul3A_167, %get3A_3, %dot_general3A_168 {dimension_numbers = #tpu.dot_dimension_numbers<[1], [1], [0], [0], [0, 0, 1, 0], [], []>, transpose_lhs_hint = false} : vector<256x64xf32>, vector<2048x64xf32>, vector<256x2048xf32> -> vector<256x2048xf32>
    %reduce_max3A_170 = arith.constant dense<0xFF800000> : vector<256xf32>
    %reduce_max3A_171 = vector.multi_reduction <maximumf>, %dot_general3A_169, %reduce_max3A_170 [1] : vector<256x2048xf32> to vector<256xf32>
    %broadcast_in_dim3A_172 = vector.shape_cast %reduce_max3A_171 : vector<256xf32> to vector<256x1xf32>
    %sub3A_173 = vector.broadcast %broadcast_in_dim3A_172 : vector<256x1xf32> to vector<256x2048xf32>
    %sub3A_174 = arith.subf %dot_general3A_169, %sub3A_173 : vector<256x2048xf32>
    %exp3A_175 = math.exp %sub3A_174 : vector<256x2048xf32>
    %reduce_sum3A_176 = arith.constant dense<0.000000e+00> : vector<256xf32>
    %reduce_sum3A_177 = vector.multi_reduction <add>, %exp3A_175, %reduce_sum3A_176 [1] : vector<256x2048xf32> to vector<256xf32>
    %broadcast_in_dim3A_178 = vector.shape_cast %reduce_sum3A_177 : vector<256xf32> to vector<256x1xf32>
    %dot_general3A_179 = arith.constant dense<0.000000e+00> : vector<256x64xf32>
    %dot_general3A_180 = tpu.matmul %exp3A_175, %get3A_8, %dot_general3A_179 {dimension_numbers = #tpu.dot_dimension_numbers<[1], [0], [0], [1], [0, 0, 1, 1], [], []>, transpose_lhs_hint = false} : vector<256x2048xf32>, vector<2048x64xf32>, vector<256x64xf32> -> vector<256x64xf32>
    %div3A_181 = arith.constant 1.000000e+00 : f32
    %div3A_182 = vector.broadcast %div3A_181 : f32 to vector<256x1xf32>
    %div3A_183 = arith.divf %div3A_182, %broadcast_in_dim3A_178 : vector<256x1xf32>
    %mul3A_184 = vector.broadcast %div3A_183 : vector<256x1xf32> to vector<256x64xf32>
    %mul3A_185 = arith.mulf %dot_general3A_180, %mul3A_184 : vector<256x64xf32>
    %swap3A_186 = arith.constant 0 : index
    %swap3A_187 = arith.constant 1280 : index
    %swap3A_188 = arith.constant 0 : index
    %swap3A_189 = vector.load %arg5[%swap3A_186, %swap3A_187, %swap3A_188] : memref<1x2048x128xf32, #tpu.memory_space<vmem>>, vector<1x256x64xf32>
    %swap3A_190 = vector.shape_cast %swap3A_189 : vector<1x256x64xf32> to vector<256x64xf32>
    %swap3A_191 = vector.shape_cast %mul3A_185 : vector<256x64xf32> to vector<1x256x64xf32>
    tpu.vector_store %arg5[%swap3A_186, %swap3A_187, %swap3A_188], %swap3A_191 {strides = array<i32>} : memref<1x2048x128xf32, #tpu.memory_space<vmem>>, vector<1x256x64xf32>,
    %get3A_192 = arith.constant 0 : index
    %get3A_193 = arith.constant 1536 : index
    %get3A_194 = arith.constant 0 : index
    %get3A_195 = vector.load %arg2[%get3A_192, %get3A_193, %get3A_194] : memref<1x2048x128xf32, #tpu.memory_space<vmem>>, vector<1x256x64xf32>
    %get3A_196 = vector.shape_cast %get3A_195 : vector<1x256x64xf32> to vector<256x64xf32>
    %mul3A_197 = arith.constant 1.250000e-01 : f32
    %mul3A_198 = vector.broadcast %mul3A_197 : f32 to vector<256x64xf32>
    %mul3A_199 = arith.mulf %get3A_196, %mul3A_198 : vector<256x64xf32>
    %dot_general3A_200 = arith.constant dense<0.000000e+00> : vector<256x2048xf32>
    %dot_general3A_201 = tpu.matmul %mul3A_199, %get3A_3, %dot_general3A_200 {dimension_numbers = #tpu.dot_dimension_numbers<[1], [1], [0], [0], [0, 0, 1, 0], [], []>, transpose_lhs_hint = false} : vector<256x64xf32>, vector<2048x64xf32>, vector<256x2048xf32> -> vector<256x2048xf32>
    %reduce_max3A_202 = arith.constant dense<0xFF800000> : vector<256xf32>
    %reduce_max3A_203 = vector.multi_reduction <maximumf>, %dot_general3A_201, %reduce_max3A_202 [1] : vector<256x2048xf32> to vector<256xf32>
    %broadcast_in_dim3A_204 = vector.shape_cast %reduce_max3A_203 : vector<256xf32> to vector<256x1xf32>
    %sub3A_205 = vector.broadcast %broadcast_in_dim3A_204 : vector<256x1xf32> to vector<256x2048xf32>
    %sub3A_206 = arith.subf %dot_general3A_201, %sub3A_205 : vector<256x2048xf32>
    %exp3A_207 = math.exp %sub3A_206 : vector<256x2048xf32>
    %reduce_sum3A_208 = arith.constant dense<0.000000e+00> : vector<256xf32>
    %reduce_sum3A_209 = vector.multi_reduction <add>, %exp3A_207, %reduce_sum3A_208 [1] : vector<256x2048xf32> to vector<256xf32>
    %broadcast_in_dim3A_210 = vector.shape_cast %reduce_sum3A_209 : vector<256xf32> to vector<256x1xf32>
    %dot_general3A_211 = arith.constant dense<0.000000e+00> : vector<256x64xf32>
    %dot_general3A_212 = tpu.matmul %exp3A_207, %get3A_8, %dot_general3A_211 {dimension_numbers = #tpu.dot_dimension_numbers<[1], [0], [0], [1], [0, 0, 1, 1], [], []>, transpose_lhs_hint = false} : vector<256x2048xf32>, vector<2048x64xf32>, vector<256x64xf32> -> vector<256x64xf32>
    %div3A_213 = arith.constant 1.000000e+00 : f32
    %div3A_214 = vector.broadcast %div3A_213 : f32 to vector<256x1xf32>
    %div3A_215 = arith.divf %div3A_214, %broadcast_in_dim3A_210 : vector<256x1xf32>
    %mul3A_216 = vector.broadcast %div3A_215 : vector<256x1xf32> to vector<256x64xf32>
    %mul3A_217 = arith.mulf %dot_general3A_212, %mul3A_216 : vector<256x64xf32>
    %swap3A_218 = arith.constant 0 : index
    %swap3A_219 = arith.constant 1536 : index
    %swap3A_220 = arith.constant 0 : index
    %swap3A_221 = vector.load %arg5[%swap3A_218, %swap3A_219, %swap3A_220] : memref<1x2048x128xf32, #tpu.memory_space<vmem>>, vector<1x256x64xf32>
    %swap3A_222 = vector.shape_cast %swap3A_221 : vector<1x256x64xf32> to vector<256x64xf32>
    %swap3A_223 = vector.shape_cast %mul3A_217 : vector<256x64xf32> to vector<1x256x64xf32>
    tpu.vector_store %arg5[%swap3A_218, %swap3A_219, %swap3A_220], %swap3A_223 {strides = array<i32>} : memref<1x2048x128xf32, #tpu.memory_space<vmem>>, vector<1x256x64xf32>,
    %get3A_224 = arith.constant 0 : index
    %get3A_225 = arith.constant 1792 : index
    %get3A_226 = arith.constant 0 : index
    %get3A_227 = vector.load %arg2[%get3A_224, %get3A_225, %get3A_226] : memref<1x2048x128xf32, #tpu.memory_space<vmem>>, vector<1x256x64xf32>
    %get3A_228 = vector.shape_cast %get3A_227 : vector<1x256x64xf32> to vector<256x64xf32>
    %mul3A_229 = arith.constant 1.250000e-01 : f32
    %mul3A_230 = vector.broadcast %mul3A_229 : f32 to vector<256x64xf32>
    %mul3A_231 = arith.mulf %get3A_228, %mul3A_230 : vector<256x64xf32>
    %dot_general3A_232 = arith.constant dense<0.000000e+00> : vector<256x2048xf32>
    %dot_general3A_233 = tpu.matmul %mul3A_231, %get3A_3, %dot_general3A_232 {dimension_numbers = #tpu.dot_dimension_numbers<[1], [1], [0], [0], [0, 0, 1, 0], [], []>, transpose_lhs_hint = false} : vector<256x64xf32>, vector<2048x64xf32>, vector<256x2048xf32> -> vector<256x2048xf32>
    %reduce_max3A_234 = arith.constant dense<0xFF800000> : vector<256xf32>
    %reduce_max3A_235 = vector.multi_reduction <maximumf>, %dot_general3A_233, %reduce_max3A_234 [1] : vector<256x2048xf32> to vector<256xf32>
    %broadcast_in_dim3A_236 = vector.shape_cast %reduce_max3A_235 : vector<256xf32> to vector<256x1xf32>
    %sub3A_237 = vector.broadcast %broadcast_in_dim3A_236 : vector<256x1xf32> to vector<256x2048xf32>
    %sub3A_238 = arith.subf %dot_general3A_233, %sub3A_237 : vector<256x2048xf32>
    %exp3A_239 = math.exp %sub3A_238 : vector<256x2048xf32>
    %reduce_sum3A_240 = arith.constant dense<0.000000e+00> : vector<256xf32>
    %reduce_sum3A_241 = vector.multi_reduction <add>, %exp3A_239, %reduce_sum3A_240 [1] : vector<256x2048xf32> to vector<256xf32>
    %broadcast_in_dim3A_242 = vector.shape_cast %reduce_sum3A_241 : vector<256xf32> to vector<256x1xf32>
    %dot_general3A_243 = arith.constant dense<0.000000e+00> : vector<256x64xf32>
    %dot_general3A_244 = tpu.matmul %exp3A_239, %get3A_8, %dot_general3A_243 {dimension_numbers = #tpu.dot_dimension_numbers<[1], [0], [0], [1], [0, 0, 1, 1], [], []>, transpose_lhs_hint = false} : vector<256x2048xf32>, vector<2048x64xf32>, vector<256x64xf32> -> vector<256x64xf32>
    %div3A_245 = arith.constant 1.000000e+00 : f32
    %div3A_246 = vector.broadcast %div3A_245 : f32 to vector<256x1xf32>
    %div3A_247 = arith.divf %div3A_246, %broadcast_in_dim3A_242 : vector<256x1xf32>
    %mul3A_248 = vector.broadcast %div3A_247 : vector<256x1xf32> to vector<256x64xf32>
    %mul3A_249 = arith.mulf %dot_general3A_244, %mul3A_248 : vector<256x64xf32>
    %swap3A_250 = arith.constant 0 : index
    %swap3A_251 = arith.constant 1792 : index
    %swap3A_252 = arith.constant 0 : index
    %swap3A_253 = vector.load %arg5[%swap3A_250, %swap3A_251, %swap3A_252] : memref<1x2048x128xf32, #tpu.memory_space<vmem>>, vector<1x256x64xf32>
    %swap3A_254 = vector.shape_cast %swap3A_253 : vector<1x256x64xf32> to vector<256x64xf32>
    %swap3A_255 = vector.shape_cast %mul3A_249 : vector<256x64xf32> to vector<1x256x64xf32>
    tpu.vector_store %arg5[%swap3A_250, %swap3A_251, %swap3A_252], %swap3A_255 {strides = array<i32>} : memref<1x2048x128xf32, #tpu.memory_space<vmem>>, vector<1x256x64xf32>,
    %get3A_256 = arith.constant 0 : index
    %get3A_257 = arith.constant 0 : index
    %get3A_258 = arith.constant 64 : index
    %get3A_259 = vector.load %arg3[%get3A_256, %get3A_257, %get3A_258] : memref<1x2048x128xf32, #tpu.memory_space<vmem>>, vector<1x2048x64xf32>
    %get3A_260 = vector.shape_cast %get3A_259 : vector<1x2048x64xf32> to vector<2048x64xf32>
    %get3A_261 = arith.constant 0 : index
    %get3A_262 = arith.constant 0 : index
    %get3A_263 = arith.constant 64 : index
    %get3A_264 = vector.load %arg4[%get3A_261, %get3A_262, %get3A_263] : memref<1x2048x128xf32, #tpu.memory_space<vmem>>, vector<1x2048x64xf32>
    %get3A_265 = vector.shape_cast %get3A_264 : vector<1x2048x64xf32> to vector<2048x64xf32>
    %get3A_266 = arith.constant 0 : index
    %get3A_267 = arith.constant 0 : index
    %get3A_268 = arith.constant 64 : index
    %get3A_269 = vector.load %arg2[%get3A_266, %get3A_267, %get3A_268] : memref<1x2048x128xf32, #tpu.memory_space<vmem>>, vector<1x256x64xf32>
    %get3A_270 = vector.shape_cast %get3A_269 : vector<1x256x64xf32> to vector<256x64xf32>
    %mul3A_271 = arith.constant 1.250000e-01 : f32
    %mul3A_272 = vector.broadcast %mul3A_271 : f32 to vector<256x64xf32>
    %mul3A_273 = arith.mulf %get3A_270, %mul3A_272 : vector<256x64xf32>
    %dot_general3A_274 = arith.constant dense<0.000000e+00> : vector<256x2048xf32>
    %dot_general3A_275 = tpu.matmul %mul3A_273, %get3A_260, %dot_general3A_274 {dimension_numbers = #tpu.dot_dimension_numbers<[1], [1], [0], [0], [0, 0, 1, 0], [], []>, transpose_lhs_hint = false} : vector<256x64xf32>, vector<2048x64xf32>, vector<256x2048xf32> -> vector<256x2048xf32>
    %reduce_max3A_276 = arith.constant dense<0xFF800000> : vector<256xf32>
    %reduce_max3A_277 = vector.multi_reduction <maximumf>, %dot_general3A_275, %reduce_max3A_276 [1] : vector<256x2048xf32> to vector<256xf32>
    %broadcast_in_dim3A_278 = vector.shape_cast %reduce_max3A_277 : vector<256xf32> to vector<256x1xf32>
    %sub3A_279 = vector.broadcast %broadcast_in_dim3A_278 : vector<256x1xf32> to vector<256x2048xf32>
    %sub3A_280 = arith.subf %dot_general3A_275, %sub3A_279 : vector<256x2048xf32>
    %exp3A_281 = math.exp %sub3A_280 : vector<256x2048xf32>
    %reduce_sum3A_282 = arith.constant dense<0.000000e+00> : vector<256xf32>
    %reduce_sum3A_283 = vector.multi_reduction <add>, %exp3A_281, %reduce_sum3A_282 [1] : vector<256x2048xf32> to vector<256xf32>
    %broadcast_in_dim3A_284 = vector.shape_cast %reduce_sum3A_283 : vector<256xf32> to vector<256x1xf32>
    %dot_general3A_285 = arith.constant dense<0.000000e+00> : vector<256x64xf32>
    %dot_general3A_286 = tpu.matmul %exp3A_281, %get3A_265, %dot_general3A_285 {dimension_numbers = #tpu.dot_dimension_numbers<[1], [0], [0], [1], [0, 0, 1, 1], [], []>, transpose_lhs_hint = false} : vector<256x2048xf32>, vector<2048x64xf32>, vector<256x64xf32> -> vector<256x64xf32>
    %div3A_287 = arith.constant 1.000000e+00 : f32
    %div3A_288 = vector.broadcast %div3A_287 : f32 to vector<256x1xf32>
    %div3A_289 = arith.divf %div3A_288, %broadcast_in_dim3A_284 : vector<256x1xf32>
    %mul3A_290 = vector.broadcast %div3A_289 : vector<256x1xf32> to vector<256x64xf32>
    %mul3A_291 = arith.mulf %dot_general3A_286, %mul3A_290 : vector<256x64xf32>
    %swap3A_292 = arith.constant 0 : index
    %swap3A_293 = arith.constant 0 : index
    %swap3A_294 = arith.constant 64 : index
    %swap3A_295 = vector.load %arg5[%swap3A_292, %swap3A_293, %swap3A_294] : memref<1x2048x128xf32, #tpu.memory_space<vmem>>, vector<1x256x64xf32>
    %swap3A_296 = vector.shape_cast %swap3A_295 : vector<1x256x64xf32> to vector<256x64xf32>
    %swap3A_297 = vector.shape_cast %mul3A_291 : vector<256x64xf32> to vector<1x256x64xf32>
    tpu.vector_store %arg5[%swap3A_292, %swap3A_293, %swap3A_294], %swap3A_297 {strides = array<i32>} : memref<1x2048x128xf32, #tpu.memory_space<vmem>>, vector<1x256x64xf32>,
    %get3A_298 = arith.constant 0 : index
    %get3A_299 = arith.constant 256 : index
    %get3A_300 = arith.constant 64 : index
    %get3A_301 = vector.load %arg2[%get3A_298, %get3A_299, %get3A_300] : memref<1x2048x128xf32, #tpu.memory_space<vmem>>, vector<1x256x64xf32>
    %get3A_302 = vector.shape_cast %get3A_301 : vector<1x256x64xf32> to vector<256x64xf32>
    %mul3A_303 = arith.constant 1.250000e-01 : f32
    %mul3A_304 = vector.broadcast %mul3A_303 : f32 to vector<256x64xf32>
    %mul3A_305 = arith.mulf %get3A_302, %mul3A_304 : vector<256x64xf32>
    %dot_general3A_306 = arith.constant dense<0.000000e+00> : vector<256x2048xf32>
    %dot_general3A_307 = tpu.matmul %mul3A_305, %get3A_260, %dot_general3A_306 {dimension_numbers = #tpu.dot_dimension_numbers<[1], [1], [0], [0], [0, 0, 1, 0], [], []>, transpose_lhs_hint = false} : vector<256x64xf32>, vector<2048x64xf32>, vector<256x2048xf32> -> vector<256x2048xf32>
    %reduce_max3A_308 = arith.constant dense<0xFF800000> : vector<256xf32>
    %reduce_max3A_309 = vector.multi_reduction <maximumf>, %dot_general3A_307, %reduce_max3A_308 [1] : vector<256x2048xf32> to vector<256xf32>
    %broadcast_in_dim3A_310 = vector.shape_cast %reduce_max3A_309 : vector<256xf32> to vector<256x1xf32>
    %sub3A_311 = vector.broadcast %broadcast_in_dim3A_310 : vector<256x1xf32> to vector<256x2048xf32>
    %sub3A_312 = arith.subf %dot_general3A_307, %sub3A_311 : vector<256x2048xf32>
    %exp3A_313 = math.exp %sub3A_312 : vector<256x2048xf32>
    %reduce_sum3A_314 = arith.constant dense<0.000000e+00> : vector<256xf32>
    %reduce_sum3A_315 = vector.multi_reduction <add>, %exp3A_313, %reduce_sum3A_314 [1] : vector<256x2048xf32> to vector<256xf32>
    %broadcast_in_dim3A_316 = vector.shape_cast %reduce_sum3A_315 : vector<256xf32> to vector<256x1xf32>
    %dot_general3A_317 = arith.constant dense<0.000000e+00> : vector<256x64xf32>
    %dot_general3A_318 = tpu.matmul %exp3A_313, %get3A_265, %dot_general3A_317 {dimension_numbers = #tpu.dot_dimension_numbers<[1], [0], [0], [1], [0, 0, 1, 1], [], []>, transpose_lhs_hint = false} : vector<256x2048xf32>, vector<2048x64xf32>, vector<256x64xf32> -> vector<256x64xf32>
    %div3A_319 = arith.constant 1.000000e+00 : f32
    %div3A_320 = vector.broadcast %div3A_319 : f32 to vector<256x1xf32>
    %div3A_321 = arith.divf %div3A_320, %broadcast_in_dim3A_316 : vector<256x1xf32>
    %mul3A_322 = vector.broadcast %div3A_321 : vector<256x1xf32> to vector<256x64xf32>
    %mul3A_323 = arith.mulf %dot_general3A_318, %mul3A_322 : vector<256x64xf32>
    %swap3A_324 = arith.constant 0 : index
    %swap3A_325 = arith.constant 256 : index
    %swap3A_326 = arith.constant 64 : index
    %swap3A_327 = vector.load %arg5[%swap3A_324, %swap3A_325, %swap3A_326] : memref<1x2048x128xf32, #tpu.memory_space<vmem>>, vector<1x256x64xf32>
    %swap3A_328 = vector.shape_cast %swap3A_327 : vector<1x256x64xf32> to vector<256x64xf32>
    %swap3A_329 = vector.shape_cast %mul3A_323 : vector<256x64xf32> to vector<1x256x64xf32>
    tpu.vector_store %arg5[%swap3A_324, %swap3A_325, %swap3A_326], %swap3A_329 {strides = array<i32>} : memref<1x2048x128xf32, #tpu.memory_space<vmem>>, vector<1x256x64xf32>,
    %get3A_330 = arith.constant 0 : index
    %get3A_331 = arith.constant 512 : index
    %get3A_332 = arith.constant 64 : index
    %get3A_333 = vector.load %arg2[%get3A_330, %get3A_331, %get3A_332] : memref<1x2048x128xf32, #tpu.memory_space<vmem>>, vector<1x256x64xf32>
    %get3A_334 = vector.shape_cast %get3A_333 : vector<1x256x64xf32> to vector<256x64xf32>
    %mul3A_335 = arith.constant 1.250000e-01 : f32
    %mul3A_336 = vector.broadcast %mul3A_335 : f32 to vector<256x64xf32>
    %mul3A_337 = arith.mulf %get3A_334, %mul3A_336 : vector<256x64xf32>
    %dot_general3A_338 = arith.constant dense<0.000000e+00> : vector<256x2048xf32>
    %dot_general3A_339 = tpu.matmul %mul3A_337, %get3A_260, %dot_general3A_338 {dimension_numbers = #tpu.dot_dimension_numbers<[1], [1], [0], [0], [0, 0, 1, 0], [], []>, transpose_lhs_hint = false} : vector<256x64xf32>, vector<2048x64xf32>, vector<256x2048xf32> -> vector<256x2048xf32>
    %reduce_max3A_340 = arith.constant dense<0xFF800000> : vector<256xf32>
    %reduce_max3A_341 = vector.multi_reduction <maximumf>, %dot_general3A_339, %reduce_max3A_340 [1] : vector<256x2048xf32> to vector<256xf32>
    %broadcast_in_dim3A_342 = vector.shape_cast %reduce_max3A_341 : vector<256xf32> to vector<256x1xf32>
    %sub3A_343 = vector.broadcast %broadcast_in_dim3A_342 : vector<256x1xf32> to vector<256x2048xf32>
    %sub3A_344 = arith.subf %dot_general3A_339, %sub3A_343 : vector<256x2048xf32>
    %exp3A_345 = math.exp %sub3A_344 : vector<256x2048xf32>
    %reduce_sum3A_346 = arith.constant dense<0.000000e+00> : vector<256xf32>
    %reduce_sum3A_347 = vector.multi_reduction <add>, %exp3A_345, %reduce_sum3A_346 [1] : vector<256x2048xf32> to vector<256xf32>
    %broadcast_in_dim3A_348 = vector.shape_cast %reduce_sum3A_347 : vector<256xf32> to vector<256x1xf32>
    %dot_general3A_349 = arith.constant dense<0.000000e+00> : vector<256x64xf32>
    %dot_general3A_350 = tpu.matmul %exp3A_345, %get3A_265, %dot_general3A_349 {dimension_numbers = #tpu.dot_dimension_numbers<[1], [0], [0], [1], [0, 0, 1, 1], [], []>, transpose_lhs_hint = false} : vector<256x2048xf32>, vector<2048x64xf32>, vector<256x64xf32> -> vector<256x64xf32>
    %div3A_351 = arith.constant 1.000000e+00 : f32
    %div3A_352 = vector.broadcast %div3A_351 : f32 to vector<256x1xf32>
    %div3A_353 = arith.divf %div3A_352, %broadcast_in_dim3A_348 : vector<256x1xf32>
    %mul3A_354 = vector.broadcast %div3A_353 : vector<256x1xf32> to vector<256x64xf32>
    %mul3A_355 = arith.mulf %dot_general3A_350, %mul3A_354 : vector<256x64xf32>
    %swap3A_356 = arith.constant 0 : index
    %swap3A_357 = arith.constant 512 : index
    %swap3A_358 = arith.constant 64 : index
    %swap3A_359 = vector.load %arg5[%swap3A_356, %swap3A_357, %swap3A_358] : memref<1x2048x128xf32, #tpu.memory_space<vmem>>, vector<1x256x64xf32>
    %swap3A_360 = vector.shape_cast %swap3A_359 : vector<1x256x64xf32> to vector<256x64xf32>
    %swap3A_361 = vector.shape_cast %mul3A_355 : vector<256x64xf32> to vector<1x256x64xf32>
    tpu.vector_store %arg5[%swap3A_356, %swap3A_357, %swap3A_358], %swap3A_361 {strides = array<i32>} : memref<1x2048x128xf32, #tpu.memory_space<vmem>>, vector<1x256x64xf32>,
    %get3A_362 = arith.constant 0 : index
    %get3A_363 = arith.constant 768 : index
    %get3A_364 = arith.constant 64 : index
    %get3A_365 = vector.load %arg2[%get3A_362, %get3A_363, %get3A_364] : memref<1x2048x128xf32, #tpu.memory_space<vmem>>, vector<1x256x64xf32>
    %get3A_366 = vector.shape_cast %get3A_365 : vector<1x256x64xf32> to vector<256x64xf32>
    %mul3A_367 = arith.constant 1.250000e-01 : f32
    %mul3A_368 = vector.broadcast %mul3A_367 : f32 to vector<256x64xf32>
    %mul3A_369 = arith.mulf %get3A_366, %mul3A_368 : vector<256x64xf32>
    %dot_general3A_370 = arith.constant dense<0.000000e+00> : vector<256x2048xf32>
    %dot_general3A_371 = tpu.matmul %mul3A_369, %get3A_260, %dot_general3A_370 {dimension_numbers = #tpu.dot_dimension_numbers<[1], [1], [0], [0], [0, 0, 1, 0], [], []>, transpose_lhs_hint = false} : vector<256x64xf32>, vector<2048x64xf32>, vector<256x2048xf32> -> vector<256x2048xf32>
    %reduce_max3A_372 = arith.constant dense<0xFF800000> : vector<256xf32>
    %reduce_max3A_373 = vector.multi_reduction <maximumf>, %dot_general3A_371, %reduce_max3A_372 [1] : vector<256x2048xf32> to vector<256xf32>
    %broadcast_in_dim3A_374 = vector.shape_cast %reduce_max3A_373 : vector<256xf32> to vector<256x1xf32>
    %sub3A_375 = vector.broadcast %broadcast_in_dim3A_374 : vector<256x1xf32> to vector<256x2048xf32>
    %sub3A_376 = arith.subf %dot_general3A_371, %sub3A_375 : vector<256x2048xf32>
    %exp3A_377 = math.exp %sub3A_376 : vector<256x2048xf32>
    %reduce_sum3A_378 = arith.constant dense<0.000000e+00> : vector<256xf32>
    %reduce_sum3A_379 = vector.multi_reduction <add>, %exp3A_377, %reduce_sum3A_378 [1] : vector<256x2048xf32> to vector<256xf32>
    %broadcast_in_dim3A_380 = vector.shape_cast %reduce_sum3A_379 : vector<256xf32> to vector<256x1xf32>
    %dot_general3A_381 = arith.constant dense<0.000000e+00> : vector<256x64xf32>
    %dot_general3A_382 = tpu.matmul %exp3A_377, %get3A_265, %dot_general3A_381 {dimension_numbers = #tpu.dot_dimension_numbers<[1], [0], [0], [1], [0, 0, 1, 1], [], []>, transpose_lhs_hint = false} : vector<256x2048xf32>, vector<2048x64xf32>, vector<256x64xf32> -> vector<256x64xf32>
    %div3A_383 = arith.constant 1.000000e+00 : f32
    %div3A_384 = vector.broadcast %div3A_383 : f32 to vector<256x1xf32>
    %div3A_385 = arith.divf %div3A_384, %broadcast_in_dim3A_380 : vector<256x1xf32>
    %mul3A_386 = vector.broadcast %div3A_385 : vector<256x1xf32> to vector<256x64xf32>
    %mul3A_387 = arith.mulf %dot_general3A_382, %mul3A_386 : vector<256x64xf32>
    %swap3A_388 = arith.constant 0 : index
    %swap3A_389 = arith.constant 768 : index
    %swap3A_390 = arith.constant 64 : index
    %swap3A_391 = vector.load %arg5[%swap3A_388, %swap3A_389, %swap3A_390] : memref<1x2048x128xf32, #tpu.memory_space<vmem>>, vector<1x256x64xf32>
    %swap3A_392 = vector.shape_cast %swap3A_391 : vector<1x256x64xf32> to vector<256x64xf32>
    %swap3A_393 = vector.shape_cast %mul3A_387 : vector<256x64xf32> to vector<1x256x64xf32>
    tpu.vector_store %arg5[%swap3A_388, %swap3A_389, %swap3A_390], %swap3A_393 {strides = array<i32>} : memref<1x2048x128xf32, #tpu.memory_space<vmem>>, vector<1x256x64xf32>,
    %get3A_394 = arith.constant 0 : index
    %get3A_395 = arith.constant 1024 : index
    %get3A_396 = arith.constant 64 : index
    %get3A_397 = vector.load %arg2[%get3A_394, %get3A_395, %get3A_396] : memref<1x2048x128xf32, #tpu.memory_space<vmem>>, vector<1x256x64xf32>
    %get3A_398 = vector.shape_cast %get3A_397 : vector<1x256x64xf32> to vector<256x64xf32>
    %mul3A_399 = arith.constant 1.250000e-01 : f32
    %mul3A_400 = vector.broadcast %mul3A_399 : f32 to vector<256x64xf32>
    %mul3A_401 = arith.mulf %get3A_398, %mul3A_400 : vector<256x64xf32>
    %dot_general3A_402 = arith.constant dense<0.000000e+00> : vector<256x2048xf32>
    %dot_general3A_403 = tpu.matmul %mul3A_401, %get3A_260, %dot_general3A_402 {dimension_numbers = #tpu.dot_dimension_numbers<[1], [1], [0], [0], [0, 0, 1, 0], [], []>, transpose_lhs_hint = false} : vector<256x64xf32>, vector<2048x64xf32>, vector<256x2048xf32> -> vector<256x2048xf32>
    %reduce_max3A_404 = arith.constant dense<0xFF800000> : vector<256xf32>
    %reduce_max3A_405 = vector.multi_reduction <maximumf>, %dot_general3A_403, %reduce_max3A_404 [1] : vector<256x2048xf32> to vector<256xf32>
    %broadcast_in_dim3A_406 = vector.shape_cast %reduce_max3A_405 : vector<256xf32> to vector<256x1xf32>
    %sub3A_407 = vector.broadcast %broadcast_in_dim3A_406 : vector<256x1xf32> to vector<256x2048xf32>
    %sub3A_408 = arith.subf %dot_general3A_403, %sub3A_407 : vector<256x2048xf32>
    %exp3A_409 = math.exp %sub3A_408 : vector<256x2048xf32>
    %reduce_sum3A_410 = arith.constant dense<0.000000e+00> : vector<256xf32>
    %reduce_sum3A_411 = vector.multi_reduction <add>, %exp3A_409, %reduce_sum3A_410 [1] : vector<256x2048xf32> to vector<256xf32>
    %broadcast_in_dim3A_412 = vector.shape_cast %reduce_sum3A_411 : vector<256xf32> to vector<256x1xf32>
    %dot_general3A_413 = arith.constant dense<0.000000e+00> : vector<256x64xf32>
    %dot_general3A_414 = tpu.matmul %exp3A_409, %get3A_265, %dot_general3A_413 {dimension_numbers = #tpu.dot_dimension_numbers<[1], [0], [0], [1], [0, 0, 1, 1], [], []>, transpose_lhs_hint = false} : vector<256x2048xf32>, vector<2048x64xf32>, vector<256x64xf32> -> vector<256x64xf32>
    %div3A_415 = arith.constant 1.000000e+00 : f32
    %div3A_416 = vector.broadcast %div3A_415 : f32 to vector<256x1xf32>
    %div3A_417 = arith.divf %div3A_416, %broadcast_in_dim3A_412 : vector<256x1xf32>
    %mul3A_418 = vector.broadcast %div3A_417 : vector<256x1xf32> to vector<256x64xf32>
    %mul3A_419 = arith.mulf %dot_general3A_414, %mul3A_418 : vector<256x64xf32>
    %swap3A_420 = arith.constant 0 : index
    %swap3A_421 = arith.constant 1024 : index
    %swap3A_422 = arith.constant 64 : index
    %swap3A_423 = vector.load %arg5[%swap3A_420, %swap3A_421, %swap3A_422] : memref<1x2048x128xf32, #tpu.memory_space<vmem>>, vector<1x256x64xf32>
    %swap3A_424 = vector.shape_cast %swap3A_423 : vector<1x256x64xf32> to vector<256x64xf32>
    %swap3A_425 = vector.shape_cast %mul3A_419 : vector<256x64xf32> to vector<1x256x64xf32>
    tpu.vector_store %arg5[%swap3A_420, %swap3A_421, %swap3A_422], %swap3A_425 {strides = array<i32>} : memref<1x2048x128xf32, #tpu.memory_space<vmem>>, vector<1x256x64xf32>,
    %get3A_426 = arith.constant 0 : index
    %get3A_427 = arith.constant 1280 : index
    %get3A_428 = arith.constant 64 : index
    %get3A_429 = vector.load %arg2[%get3A_426, %get3A_427, %get3A_428] : memref<1x2048x128xf32, #tpu.memory_space<vmem>>, vector<1x256x64xf32>
    %get3A_430 = vector.shape_cast %get3A_429 : vector<1x256x64xf32> to vector<256x64xf32>
    %mul3A_431 = arith.constant 1.250000e-01 : f32
    %mul3A_432 = vector.broadcast %mul3A_431 : f32 to vector<256x64xf32>
    %mul3A_433 = arith.mulf %get3A_430, %mul3A_432 : vector<256x64xf32>
    %dot_general3A_434 = arith.constant dense<0.000000e+00> : vector<256x2048xf32>
    %dot_general3A_435 = tpu.matmul %mul3A_433, %get3A_260, %dot_general3A_434 {dimension_numbers = #tpu.dot_dimension_numbers<[1], [1], [0], [0], [0, 0, 1, 0], [], []>, transpose_lhs_hint = false} : vector<256x64xf32>, vector<2048x64xf32>, vector<256x2048xf32> -> vector<256x2048xf32>
    %reduce_max3A_436 = arith.constant dense<0xFF800000> : vector<256xf32>
    %reduce_max3A_437 = vector.multi_reduction <maximumf>, %dot_general3A_435, %reduce_max3A_436 [1] : vector<256x2048xf32> to vector<256xf32>
    %broadcast_in_dim3A_438 = vector.shape_cast %reduce_max3A_437 : vector<256xf32> to vector<256x1xf32>
    %sub3A_439 = vector.broadcast %broadcast_in_dim3A_438 : vector<256x1xf32> to vector<256x2048xf32>
    %sub3A_440 = arith.subf %dot_general3A_435, %sub3A_439 : vector<256x2048xf32>
    %exp3A_441 = math.exp %sub3A_440 : vector<256x2048xf32>
    %reduce_sum3A_442 = arith.constant dense<0.000000e+00> : vector<256xf32>
    %reduce_sum3A_443 = vector.multi_reduction <add>, %exp3A_441, %reduce_sum3A_442 [1] : vector<256x2048xf32> to vector<256xf32>
    %broadcast_in_dim3A_444 = vector.shape_cast %reduce_sum3A_443 : vector<256xf32> to vector<256x1xf32>
    %dot_general3A_445 = arith.constant dense<0.000000e+00> : vector<256x64xf32>
    %dot_general3A_446 = tpu.matmul %exp3A_441, %get3A_265, %dot_general3A_445 {dimension_numbers = #tpu.dot_dimension_numbers<[1], [0], [0], [1], [0, 0, 1, 1], [], []>, transpose_lhs_hint = false} : vector<256x2048xf32>, vector<2048x64xf32>, vector<256x64xf32> -> vector<256x64xf32>
    %div3A_447 = arith.constant 1.000000e+00 : f32
    %div3A_448 = vector.broadcast %div3A_447 : f32 to vector<256x1xf32>
    %div3A_449 = arith.divf %div3A_448, %broadcast_in_dim3A_444 : vector<256x1xf32>
    %mul3A_450 = vector.broadcast %div3A_449 : vector<256x1xf32> to vector<256x64xf32>
    %mul3A_451 = arith.mulf %dot_general3A_446, %mul3A_450 : vector<256x64xf32>
    %swap3A_452 = arith.constant 0 : index
    %swap3A_453 = arith.constant 1280 : index
    %swap3A_454 = arith.constant 64 : index
    %swap3A_455 = vector.load %arg5[%swap3A_452, %swap3A_453, %swap3A_454] : memref<1x2048x128xf32, #tpu.memory_space<vmem>>, vector<1x256x64xf32>
    %swap3A_456 = vector.shape_cast %swap3A_455 : vector<1x256x64xf32> to vector<256x64xf32>
    %swap3A_457 = vector.shape_cast %mul3A_451 : vector<256x64xf32> to vector<1x256x64xf32>
    tpu.vector_store %arg5[%swap3A_452, %swap3A_453, %swap3A_454], %swap3A_457 {strides = array<i32>} : memref<1x2048x128xf32, #tpu.memory_space<vmem>>, vector<1x256x64xf32>,
    %get3A_458 = arith.constant 0 : index
    %get3A_459 = arith.constant 1536 : index
    %get3A_460 = arith.constant 64 : index
    %get3A_461 = vector.load %arg2[%get3A_458, %get3A_459, %get3A_460] : memref<1x2048x128xf32, #tpu.memory_space<vmem>>, vector<1x256x64xf32>
    %get3A_462 = vector.shape_cast %get3A_461 : vector<1x256x64xf32> to vector<256x64xf32>
    %mul3A_463 = arith.constant 1.250000e-01 : f32
    %mul3A_464 = vector.broadcast %mul3A_463 : f32 to vector<256x64xf32>
    %mul3A_465 = arith.mulf %get3A_462, %mul3A_464 : vector<256x64xf32>
    %dot_general3A_466 = arith.constant dense<0.000000e+00> : vector<256x2048xf32>
    %dot_general3A_467 = tpu.matmul %mul3A_465, %get3A_260, %dot_general3A_466 {dimension_numbers = #tpu.dot_dimension_numbers<[1], [1], [0], [0], [0, 0, 1, 0], [], []>, transpose_lhs_hint = false} : vector<256x64xf32>, vector<2048x64xf32>, vector<256x2048xf32> -> vector<256x2048xf32>
    %reduce_max3A_468 = arith.constant dense<0xFF800000> : vector<256xf32>
    %reduce_max3A_469 = vector.multi_reduction <maximumf>, %dot_general3A_467, %reduce_max3A_468 [1] : vector<256x2048xf32> to vector<256xf32>
    %broadcast_in_dim3A_470 = vector.shape_cast %reduce_max3A_469 : vector<256xf32> to vector<256x1xf32>
    %sub3A_471 = vector.broadcast %broadcast_in_dim3A_470 : vector<256x1xf32> to vector<256x2048xf32>
    %sub3A_472 = arith.subf %dot_general3A_467, %sub3A_471 : vector<256x2048xf32>
    %exp3A_473 = math.exp %sub3A_472 : vector<256x2048xf32>
    %reduce_sum3A_474 = arith.constant dense<0.000000e+00> : vector<256xf32>
    %reduce_sum3A_475 = vector.multi_reduction <add>, %exp3A_473, %reduce_sum3A_474 [1] : vector<256x2048xf32> to vector<256xf32>
    %broadcast_in_dim3A_476 = vector.shape_cast %reduce_sum3A_475 : vector<256xf32> to vector<256x1xf32>
    %dot_general3A_477 = arith.constant dense<0.000000e+00> : vector<256x64xf32>
    %dot_general3A_478 = tpu.matmul %exp3A_473, %get3A_265, %dot_general3A_477 {dimension_numbers = #tpu.dot_dimension_numbers<[1], [0], [0], [1], [0, 0, 1, 1], [], []>, transpose_lhs_hint = false} : vector<256x2048xf32>, vector<2048x64xf32>, vector<256x64xf32> -> vector<256x64xf32>
    %div3A_479 = arith.constant 1.000000e+00 : f32
    %div3A_480 = vector.broadcast %div3A_479 : f32 to vector<256x1xf32>
    %div3A_481 = arith.divf %div3A_480, %broadcast_in_dim3A_476 : vector<256x1xf32>
    %mul3A_482 = vector.broadcast %div3A_481 : vector<256x1xf32> to vector<256x64xf32>
    %mul3A_483 = arith.mulf %dot_general3A_478, %mul3A_482 : vector<256x64xf32>
    %swap3A_484 = arith.constant 0 : index
    %swap3A_485 = arith.constant 1536 : index
    %swap3A_486 = arith.constant 64 : index
    %swap3A_487 = vector.load %arg5[%swap3A_484, %swap3A_485, %swap3A_486] : memref<1x2048x128xf32, #tpu.memory_space<vmem>>, vector<1x256x64xf32>
    %swap3A_488 = vector.shape_cast %swap3A_487 : vector<1x256x64xf32> to vector<256x64xf32>
    %swap3A_489 = vector.shape_cast %mul3A_483 : vector<256x64xf32> to vector<1x256x64xf32>
    tpu.vector_store %arg5[%swap3A_484, %swap3A_485, %swap3A_486], %swap3A_489 {strides = array<i32>} : memref<1x2048x128xf32, #tpu.memory_space<vmem>>, vector<1x256x64xf32>,
    %get3A_490 = arith.constant 0 : index
    %get3A_491 = arith.constant 1792 : index
    %get3A_492 = arith.constant 64 : index
    %get3A_493 = vector.load %arg2[%get3A_490, %get3A_491, %get3A_492] : memref<1x2048x128xf32, #tpu.memory_space<vmem>>, vector<1x256x64xf32>
    %get3A_494 = vector.shape_cast %get3A_493 : vector<1x256x64xf32> to vector<256x64xf32>
    %mul3A_495 = arith.constant 1.250000e-01 : f32
    %mul3A_496 = vector.broadcast %mul3A_495 : f32 to vector<256x64xf32>
    %mul3A_497 = arith.mulf %get3A_494, %mul3A_496 : vector<256x64xf32>
    %dot_general3A_498 = arith.constant dense<0.000000e+00> : vector<256x2048xf32>
    %dot_general3A_499 = tpu.matmul %mul3A_497, %get3A_260, %dot_general3A_498 {dimension_numbers = #tpu.dot_dimension_numbers<[1], [1], [0], [0], [0, 0, 1, 0], [], []>, transpose_lhs_hint = false} : vector<256x64xf32>, vector<2048x64xf32>, vector<256x2048xf32> -> vector<256x2048xf32>
    %reduce_max3A_500 = arith.constant dense<0xFF800000> : vector<256xf32>
    %reduce_max3A_501 = vector.multi_reduction <maximumf>, %dot_general3A_499, %reduce_max3A_500 [1] : vector<256x2048xf32> to vector<256xf32>
    %broadcast_in_dim3A_502 = vector.shape_cast %reduce_max3A_501 : vector<256xf32> to vector<256x1xf32>
    %sub3A_503 = vector.broadcast %broadcast_in_dim3A_502 : vector<256x1xf32> to vector<256x2048xf32>
    %sub3A_504 = arith.subf %dot_general3A_499, %sub3A_503 : vector<256x2048xf32>
    %exp3A_505 = math.exp %sub3A_504 : vector<256x2048xf32>
    %reduce_sum3A_506 = arith.constant dense<0.000000e+00> : vector<256xf32>
    %reduce_sum3A_507 = vector.multi_reduction <add>, %exp3A_505, %reduce_sum3A_506 [1] : vector<256x2048xf32> to vector<256xf32>
    %broadcast_in_dim3A_508 = vector.shape_cast %reduce_sum3A_507 : vector<256xf32> to vector<256x1xf32>
    %dot_general3A_509 = arith.constant dense<0.000000e+00> : vector<256x64xf32>
    %dot_general3A_510 = tpu.matmul %exp3A_505, %get3A_265, %dot_general3A_509 {dimension_numbers = #tpu.dot_dimension_numbers<[1], [0], [0], [1], [0, 0, 1, 1], [], []>, transpose_lhs_hint = false} : vector<256x2048xf32>, vector<2048x64xf32>, vector<256x64xf32> -> vector<256x64xf32>
    %div3A_511 = arith.constant 1.000000e+00 : f32
    %div3A_512 = vector.broadcast %div3A_511 : f32 to vector<256x1xf32>
    %div3A_513 = arith.divf %div3A_512, %broadcast_in_dim3A_508 : vector<256x1xf32>
    %mul3A_514 = vector.broadcast %div3A_513 : vector<256x1xf32> to vector<256x64xf32>
    %mul3A_515 = arith.mulf %dot_general3A_510, %mul3A_514 : vector<256x64xf32>
    %swap3A_516 = arith.constant 0 : index
    %swap3A_517 = arith.constant 1792 : index
    %swap3A_518 = arith.constant 64 : index
    %swap3A_519 = vector.load %arg5[%swap3A_516, %swap3A_517, %swap3A_518] : memref<1x2048x128xf32, #tpu.memory_space<vmem>>, vector<1x256x64xf32>
    %swap3A_520 = vector.shape_cast %swap3A_519 : vector<1x256x64xf32> to vector<256x64xf32>
    %swap3A_521 = vector.shape_cast %mul3A_515 : vector<256x64xf32> to vector<1x256x64xf32>
    tpu.vector_store %arg5[%swap3A_516, %swap3A_517, %swap3A_518], %swap3A_521 {strides = array<i32>} : memref<1x2048x128xf32, #tpu.memory_space<vmem>>, vector<1x256x64xf32>,
    return
  }
  func.func @transform_0(%arg0: i32, %arg1: i32) -> (i32, i32, i32) {
    %c0_i32 = arith.constant 0 : i32
    %c0_i32_0 = arith.constant 0 : i32
    return %arg0, %c0_i32, %arg1 : i32, i32, i32
  }
  func.func @transform_1(%arg0: i32, %arg1: i32) -> (i32, i32, i32) {
    %c0_i32 = arith.constant 0 : i32
    %c0_i32_0 = arith.constant 0 : i32
    return %arg0, %c0_i32, %arg1 : i32, i32, i32
  }
  func.func @transform_2(%arg0: i32, %arg1: i32) -> (i32, i32, i32) {
    %c0_i32 = arith.constant 0 : i32
    %c0_i32_0 = arith.constant 0 : i32
    return %arg0, %c0_i32, %arg1 : i32, i32, i32
  }
  func.func @transform_3(%arg0: i32, %arg1: i32) -> (i32, i32, i32) {
    %c0_i32 = arith.constant 0 : i32
    %c0_i32_0 = arith.constant 0 : i32
    return %arg0, %c0_i32, %arg1 : i32, i32, i32
  }
}

module attributes {stable_mosaic.version = 14 : i64} {
  func.func @_outproj_ln2_body(%arg0: i32, %arg1: i32, %arg2: memref<1024x1024xf32, #tpu.memory_space<vmem>>, %arg3: memref<1x1024x1024xf32, #tpu.memory_space<vmem>>, %arg4: memref<1x1024x1024xf32, #tpu.memory_space<vmem>>, %arg5: memref<1x1x1024xf32, #tpu.memory_space<vmem>>, %arg6: memref<1x2xf32, #tpu.memory_space<smem>>, %arg7: memref<1024x8xf32, #tpu.memory_space<vmem>>, %arg8: memref<1x8xf32, #tpu.memory_space<vmem>>, %arg9: memref<1x1024xf32, #tpu.memory_space<vmem>>, %arg10: memref<1x1024xf32, #tpu.memory_space<vmem>>, %arg11: memref<1024x1024xf32, #tpu.memory_space<vmem>>, %arg12: memref<1024x1024xf32, #tpu.memory_space<vmem>>, %arg13: memref<1x16xf32, #tpu.memory_space<vmem>>, %arg14: memref<1x8xf32, #tpu.memory_space<vmem>>) attributes {dimension_semantics = [#tpu.dimension_semantics<arbitrary>, #tpu.dimension_semantics<arbitrary>], iteration_bounds = array<i64: 2, 2>, scalar_prefetch = 0 : i64, scratch_operands = 1 : i64, tpu.core_type = #tpu.core_type<tc>, window_params = [{transform_indices = @transform_0, window_bounds = array<i64: 1024, 1024>}, {transform_indices = @transform_1, window_bounds = array<i64: 1, 1024, 1024>}, {transform_indices = @transform_2, window_bounds = array<i64: 1, 1024, 1024>}, {transform_indices = @transform_3, window_bounds = array<i64: 1, 1, 1024>}, {transform_indices = @transform_4, window_bounds = array<i64: 1, 2>}, {pipeline_mode = #tpu.pipeline_mode<synchronous>, transform_indices = @transform_5, window_bounds = array<i64: 1024, 8>}, {pipeline_mode = #tpu.pipeline_mode<synchronous>, transform_indices = @transform_6, window_bounds = array<i64: 1, 8>}, {pipeline_mode = #tpu.pipeline_mode<synchronous>, transform_indices = @transform_7, window_bounds = array<i64: 1, 1024>}, {pipeline_mode = #tpu.pipeline_mode<synchronous>, transform_indices = @transform_8, window_bounds = array<i64: 1, 1024>}, {transform_indices = @transform_9, window_bounds = array<i64: 1024, 1024>}, {transform_indices = @transform_10, window_bounds = array<i64: 1024, 1024>}, {pipeline_mode = #tpu.pipeline_mode<synchronous>, transform_indices = @transform_11, window_bounds = array<i64: 1, 16>}]} {
    %get3A = arith.constant 0 : index
    %get3A_0 = arith.index_cast %arg1 : i32 to index
    %get3A_1 = memref.load %arg6[%get3A, %get3A_0] : memref<1x2xf32, #tpu.memory_space<smem>>
    %get3A_2 = arith.constant 0 : index
    %get3A_3 = arith.constant 0 : index
    %get3A_4 = arith.constant 0 : index
    %get3A_5 = vector.load %arg3[%get3A_2, %get3A_3, %get3A_4] : memref<1x1024x1024xf32, #tpu.memory_space<vmem>>, vector<1x1024x1024xf32>
    %get3A_6 = vector.shape_cast %get3A_5 : vector<1x1024x1024xf32> to vector<1024x1024xf32>
    %get3A_7 = arith.constant 0 : index
    %get3A_8 = arith.constant 0 : index
    %get3A_9 = arith.constant 0 : index
    %get3A_10 = vector.load %arg4[%get3A_7, %get3A_8, %get3A_9] : memref<1x1024x1024xf32, #tpu.memory_space<vmem>>, vector<1x1024x1024xf32>
    %get3A_11 = vector.shape_cast %get3A_10 : vector<1x1024x1024xf32> to vector<1024x1024xf32>
    %dot_general3A = arith.constant dense<0.000000e+00> : vector<1024x1024xf32>
    %dot_general3A_12 = tpu.matmul %get3A_6, %get3A_11, %dot_general3A {dimension_numbers = #tpu.dot_dimension_numbers<[1], [0], [0], [1], [0, 0, 1, 1], [], []>, transpose_lhs_hint = false} : vector<1024x1024xf32>, vector<1024x1024xf32>, vector<1024x1024xf32> -> vector<1024x1024xf32>
    %get3A_13 = arith.constant 0 : index
    %get3A_14 = arith.constant 0 : index
    %get3A_15 = arith.constant 0 : index
    %get3A_16 = vector.load %arg5[%get3A_13, %get3A_14, %get3A_15] : memref<1x1x1024xf32, #tpu.memory_space<vmem>>, vector<1x1x1024xf32>
    %get3A_17 = vector.shape_cast %get3A_16 : vector<1x1x1024xf32> to vector<1x1024xf32>
    %add3A = vector.broadcast %get3A_17 : vector<1x1024xf32> to vector<1024x1024xf32>
    %add3A_18 = arith.addf %dot_general3A_12, %add3A : vector<1024x1024xf32>
    %mul3A = vector.broadcast %get3A_1 : f32 to vector<1024x1024xf32>
    %mul3A_19 = arith.mulf %add3A_18, %mul3A : vector<1024x1024xf32>
    %eq3A = arith.constant 0 : i32
    %eq3A_20 = arith.cmpi eq, %arg1, %eq3A : i32
    %convert_element_type3A = arith.extui %eq3A_20 : i1 to i32
    %cond3A = arith.constant 0 : i32
    %cond3A_21 = arith.cmpi ne, %convert_element_type3A, %cond3A : i32
    scf.if %cond3A_21 {
      %get3A_31 = arith.constant 0 : index
      %get3A_32 = arith.constant 0 : index
      %get3A_33 = vector.load %arg2[%get3A_31, %get3A_32] : memref<1024x1024xf32, #tpu.memory_space<vmem>>, vector<1024x1024xf32>
      %add3A_34 = arith.addf %get3A_33, %mul3A_19 : vector<1024x1024xf32>
      %swap3A = arith.constant 0 : index
      %swap3A_35 = arith.constant 0 : index
      %swap3A_36 = vector.load %arg11[%swap3A, %swap3A_35] : memref<1024x1024xf32, #tpu.memory_space<vmem>>, vector<1024x1024xf32>
      tpu.vector_store %arg11[%swap3A, %swap3A_35], %add3A_34 {strides = array<i32>} : memref<1024x1024xf32, #tpu.memory_space<vmem>>, vector<1024x1024xf32>,
    } else {
    }
    %gt3A = arith.constant 0 : i32
    %gt3A_22 = arith.cmpi sgt, %arg1, %gt3A : i32
    %convert_element_type3A_23 = arith.extui %gt3A_22 : i1 to i32
    %cond3A_24 = arith.constant 0 : i32
    %cond3A_25 = arith.cmpi ne, %convert_element_type3A_23, %cond3A_24 : i32
    scf.if %cond3A_25 {
      %get3A_31 = arith.constant 0 : index
      %get3A_32 = arith.constant 0 : index
      %get3A_33 = vector.load %arg11[%get3A_31, %get3A_32] : memref<1024x1024xf32, #tpu.memory_space<vmem>>, vector<1024x1024xf32>
      %add3A_34 = arith.addf %get3A_33, %mul3A_19 : vector<1024x1024xf32>
      %swap3A = arith.constant 0 : index
      %swap3A_35 = arith.constant 0 : index
      %swap3A_36 = vector.load %arg11[%swap3A, %swap3A_35] : memref<1024x1024xf32, #tpu.memory_space<vmem>>, vector<1024x1024xf32>
      tpu.vector_store %arg11[%swap3A, %swap3A_35], %add3A_34 {strides = array<i32>} : memref<1024x1024xf32, #tpu.memory_space<vmem>>, vector<1024x1024xf32>,
    } else {
    }
    %eq3A_26 = arith.constant 1 : i32
    %eq3A_27 = arith.cmpi eq, %arg1, %eq3A_26 : i32
    %convert_element_type3A_28 = arith.extui %eq3A_27 : i1 to i32
    %cond3A_29 = arith.constant 0 : i32
    %cond3A_30 = arith.cmpi ne, %convert_element_type3A_28, %cond3A_29 : i32
    scf.if %cond3A_30 {
      %get3A_31 = arith.constant 0 : index
      %get3A_32 = arith.constant 0 : index
      %get3A_33 = vector.load %arg11[%get3A_31, %get3A_32] : memref<1024x1024xf32, #tpu.memory_space<vmem>>, vector<1024x1024xf32>
      %reduce_sum3A = arith.constant dense<0.000000e+00> : vector<1024xf32>
      %reduce_sum3A_34 = vector.multi_reduction <add>, %get3A_33, %reduce_sum3A [1] : vector<1024x1024xf32> to vector<1024xf32>
      %broadcast_in_dim3A = vector.shape_cast %reduce_sum3A_34 : vector<1024xf32> to vector<1024x1xf32>
      %div3A = arith.constant 1.024000e+03 : f32
      %div3A_35 = vector.broadcast %div3A : f32 to vector<1024x1xf32>
      %div3A_36 = arith.divf %broadcast_in_dim3A, %div3A_35 : vector<1024x1xf32>
      %sub3A = vector.broadcast %div3A_36 : vector<1024x1xf32> to vector<1024x1024xf32>
      %sub3A_37 = arith.subf %get3A_33, %sub3A : vector<1024x1024xf32>
      %square3A = arith.mulf %sub3A_37, %sub3A_37 : vector<1024x1024xf32>
      %reduce_sum3A_38 = arith.constant dense<0.000000e+00> : vector<1024xf32>
      %reduce_sum3A_39 = vector.multi_reduction <add>, %square3A, %reduce_sum3A_38 [1] : vector<1024x1024xf32> to vector<1024xf32>
      %broadcast_in_dim3A_40 = vector.shape_cast %reduce_sum3A_39 : vector<1024xf32> to vector<1024x1xf32>
      %div3A_41 = arith.constant 1.024000e+03 : f32
      %div3A_42 = vector.broadcast %div3A_41 : f32 to vector<1024x1xf32>
      %div3A_43 = arith.divf %broadcast_in_dim3A_40, %div3A_42 : vector<1024x1xf32>
      %sub3A_44 = vector.broadcast %div3A_36 : vector<1024x1xf32> to vector<1024x1024xf32>
      %sub3A_45 = arith.subf %get3A_33, %sub3A_44 : vector<1024x1024xf32>
      %add3A_46 = arith.constant 9.99999997E-7 : f32
      %add3A_47 = vector.broadcast %add3A_46 : f32 to vector<1024x1xf32>
      %add3A_48 = arith.addf %div3A_43, %add3A_47 : vector<1024x1xf32>
      %sqrt3A = math.sqrt %add3A_48 : vector<1024x1xf32>
      %div3A_49 = vector.broadcast %sqrt3A : vector<1024x1xf32> to vector<1024x1024xf32>
      %div3A_50 = arith.divf %sub3A_45, %div3A_49 : vector<1024x1024xf32>
      %get3A_51 = arith.constant 0 : index
      %get3A_52 = arith.constant 0 : index
      %get3A_53 = vector.load %arg9[%get3A_51, %get3A_52] : memref<1x1024xf32, #tpu.memory_space<vmem>>, vector<1x1024xf32>
      %mul3A_54 = vector.broadcast %get3A_53 : vector<1x1024xf32> to vector<1024x1024xf32>
      %mul3A_55 = arith.mulf %div3A_50, %mul3A_54 : vector<1024x1024xf32>
      %get3A_56 = arith.constant 0 : index
      %get3A_57 = arith.constant 0 : index
      %get3A_58 = vector.load %arg10[%get3A_56, %get3A_57] : memref<1x1024xf32, #tpu.memory_space<vmem>>, vector<1x1024xf32>
      %add3A_59 = vector.broadcast %get3A_58 : vector<1x1024xf32> to vector<1024x1024xf32>
      %add3A_60 = arith.addf %mul3A_55, %add3A_59 : vector<1024x1024xf32>
      %swap3A = arith.constant 0 : index
      %swap3A_61 = arith.constant 0 : index
      %swap3A_62 = vector.load %arg12[%swap3A, %swap3A_61] : memref<1024x1024xf32, #tpu.memory_space<vmem>>, vector<1024x1024xf32>
      tpu.vector_store %arg12[%swap3A, %swap3A_61], %add3A_60 {strides = array<i32>} : memref<1024x1024xf32, #tpu.memory_space<vmem>>, vector<1024x1024xf32>,
      %reduce_sum3A_63 = arith.constant dense<0.000000e+00> : vector<1024xf32>
      %reduce_sum3A_64 = vector.multi_reduction <add>, %add3A_60, %reduce_sum3A_63 [0] : vector<1024x1024xf32> to vector<1024xf32>
      %broadcast_in_dim3A_65 = vector.shape_cast %reduce_sum3A_64 : vector<1024xf32> to vector<1x1024xf32>
      %get3A_66 = arith.constant 0 : index
      %get3A_67 = arith.constant 0 : index
      %get3A_68 = vector.load %arg7[%get3A_66, %get3A_67] : memref<1024x8xf32, #tpu.memory_space<vmem>>, vector<1024x8xf32>
      %dot_general3A_69 = arith.constant dense<0.000000e+00> : vector<1x8xf32>
      %dot_general3A_70 = tpu.matmul %broadcast_in_dim3A_65, %get3A_68, %dot_general3A_69 {dimension_numbers = #tpu.dot_dimension_numbers<[1], [0], [0], [1], [0, 0, 1, 1], [], []>, transpose_lhs_hint = false} : vector<1x1024xf32>, vector<1024x8xf32>, vector<1x8xf32> -> vector<1x8xf32>
      %eq3A_71 = arith.constant 0 : i32
      %eq3A_72 = arith.cmpi eq, %arg0, %eq3A_71 : i32
      %convert_element_type3A_73 = arith.extui %eq3A_72 : i1 to i32
      %cond3A_74 = arith.constant 0 : i32
      %cond3A_75 = arith.cmpi ne, %convert_element_type3A_73, %cond3A_74 : i32
      scf.if %cond3A_75 {
        %swap3A_86 = arith.constant 0 : index
        %swap3A_87 = arith.constant 0 : index
        %swap3A_88 = vector.load %arg14[%swap3A_86, %swap3A_87] : memref<1x8xf32, #tpu.memory_space<vmem>>, vector<1x8xf32>
        tpu.vector_store %arg14[%swap3A_86, %swap3A_87], %dot_general3A_70 {strides = array<i32>} : memref<1x8xf32, #tpu.memory_space<vmem>>, vector<1x8xf32>,
      } else {
      }
      %gt3A_76 = arith.constant 0 : i32
      %gt3A_77 = arith.cmpi sgt, %arg0, %gt3A_76 : i32
      %convert_element_type3A_78 = arith.extui %gt3A_77 : i1 to i32
      %cond3A_79 = arith.constant 0 : i32
      %cond3A_80 = arith.cmpi ne, %convert_element_type3A_78, %cond3A_79 : i32
      scf.if %cond3A_80 {
        %get3A_86 = arith.constant 0 : index
        %get3A_87 = arith.constant 0 : index
        %get3A_88 = vector.load %arg14[%get3A_86, %get3A_87] : memref<1x8xf32, #tpu.memory_space<vmem>>, vector<1x8xf32>
        %add3A_89 = arith.addf %get3A_88, %dot_general3A_70 : vector<1x8xf32>
        %swap3A_90 = arith.constant 0 : index
        %swap3A_91 = arith.constant 0 : index
        %swap3A_92 = vector.load %arg14[%swap3A_90, %swap3A_91] : memref<1x8xf32, #tpu.memory_space<vmem>>, vector<1x8xf32>
        tpu.vector_store %arg14[%swap3A_90, %swap3A_91], %add3A_89 {strides = array<i32>} : memref<1x8xf32, #tpu.memory_space<vmem>>, vector<1x8xf32>,
      } else {
      }
      %eq3A_81 = arith.constant 1 : i32
      %eq3A_82 = arith.cmpi eq, %arg0, %eq3A_81 : i32
      %convert_element_type3A_83 = arith.extui %eq3A_82 : i1 to i32
      %cond3A_84 = arith.constant 0 : i32
      %cond3A_85 = arith.cmpi ne, %convert_element_type3A_83, %cond3A_84 : i32
      scf.if %cond3A_85 {
        %get3A_86 = arith.constant 0 : index
        %get3A_87 = arith.constant 0 : index
        %get3A_88 = vector.load %arg14[%get3A_86, %get3A_87] : memref<1x8xf32, #tpu.memory_space<vmem>>, vector<1x8xf32>
        %div3A_89 = arith.constant 2.048000e+03 : f32
        %div3A_90 = vector.broadcast %div3A_89 : f32 to vector<1x8xf32>
        %div3A_91 = arith.divf %get3A_88, %div3A_90 : vector<1x8xf32>
        %get3A_92 = arith.constant 0 : index
        %get3A_93 = arith.constant 0 : index
        %get3A_94 = vector.load %arg8[%get3A_92, %get3A_93] : memref<1x8xf32, #tpu.memory_space<vmem>>, vector<1x8xf32>
        %add3A_95 = arith.addf %div3A_91, %get3A_94 : vector<1x8xf32>
        %reduce_max3A = arith.constant dense<0xFF800000> : vector<1xf32>
        %reduce_max3A_96 = vector.multi_reduction <maximumf>, %add3A_95, %reduce_max3A [1] : vector<1x8xf32> to vector<1xf32>
        %broadcast_in_dim3A_97 = vector.shape_cast %reduce_max3A_96 : vector<1xf32> to vector<1x1xf32>
        %sub3A_98 = vector.broadcast %broadcast_in_dim3A_97 : vector<1x1xf32> to vector<1x8xf32>
        %sub3A_99 = arith.subf %add3A_95, %sub3A_98 : vector<1x8xf32>
        %exp3A = math.exp %sub3A_99 : vector<1x8xf32>
        %reduce_sum3A_100 = arith.constant dense<0.000000e+00> : vector<1xf32>
        %reduce_sum3A_101 = vector.multi_reduction <add>, %exp3A, %reduce_sum3A_100 [1] : vector<1x8xf32> to vector<1xf32>
        %broadcast_in_dim3A_102 = vector.shape_cast %reduce_sum3A_101 : vector<1xf32> to vector<1x1xf32>
        %div3A_103 = vector.broadcast %broadcast_in_dim3A_102 : vector<1x1xf32> to vector<1x8xf32>
        %div3A_104 = arith.divf %exp3A, %div3A_103 : vector<1x8xf32>
        %broadcast_in_dim3A_105 = arith.constant -1.000000e+00 : f32
        %broadcast_in_dim3A_106 = vector.broadcast %broadcast_in_dim3A_105 : f32 to vector<1x8xf32>
        %concatenate3A = tpu.concatenate %div3A_104, %broadcast_in_dim3A_106 in 1 : vector<1x8xf32>, vector<1x8xf32> -> vector<1x16xf32>
        %swap3A_107 = arith.constant 0 : index
        %swap3A_108 = arith.constant 0 : index
        %swap3A_109 = vector.load %arg13[%swap3A_107, %swap3A_108] : memref<1x16xf32, #tpu.memory_space<vmem>>, vector<1x16xf32>
        tpu.vector_store %arg13[%swap3A_107, %swap3A_108], %concatenate3A {strides = array<i32>} : memref<1x16xf32, #tpu.memory_space<vmem>>, vector<1x16xf32>,
      } else {
      }
    } else {
    }
    return
  }
  func.func @transform_0(%arg0: i32, %arg1: i32) -> (i32, i32) {
    %c0_i32 = arith.constant 0 : i32
    %c0_i32_0 = arith.constant 0 : i32
    return %arg0, %c0_i32 : i32, i32
  }
  func.func @transform_1(%arg0: i32, %arg1: i32) -> (i32, i32, i32) {
    %c0_i32 = arith.constant 0 : i32
    %c0_i32_0 = arith.constant 0 : i32
    return %arg1, %arg0, %c0_i32 : i32, i32, i32
  }
  func.func @transform_2(%arg0: i32, %arg1: i32) -> (i32, i32, i32) {
    %c0_i32 = arith.constant 0 : i32
    %c0_i32_0 = arith.constant 0 : i32
    %c0_i32_1 = arith.constant 0 : i32
    return %arg1, %c0_i32, %c0_i32_0 : i32, i32, i32
  }
  func.func @transform_3(%arg0: i32, %arg1: i32) -> (i32, i32, i32) {
    %c0_i32 = arith.constant 0 : i32
    %c0_i32_0 = arith.constant 0 : i32
    %c0_i32_1 = arith.constant 0 : i32
    return %arg1, %c0_i32, %c0_i32_0 : i32, i32, i32
  }
  func.func @transform_4(%arg0: i32, %arg1: i32) -> (i32, i32) {
    %c0_i32 = arith.constant 0 : i32
    %c0_i32_0 = arith.constant 0 : i32
    %c0_i32_1 = arith.constant 0 : i32
    return %c0_i32, %c0_i32_0 : i32, i32
  }
  func.func @transform_5(%arg0: i32, %arg1: i32) -> (i32, i32) {
    %c0_i32 = arith.constant 0 : i32
    %c0_i32_0 = arith.constant 0 : i32
    %c0_i32_1 = arith.constant 0 : i32
    return %c0_i32, %c0_i32_0 : i32, i32
  }
  func.func @transform_6(%arg0: i32, %arg1: i32) -> (i32, i32) {
    %c0_i32 = arith.constant 0 : i32
    %c0_i32_0 = arith.constant 0 : i32
    %c0_i32_1 = arith.constant 0 : i32
    return %c0_i32, %c0_i32_0 : i32, i32
  }
  func.func @transform_7(%arg0: i32, %arg1: i32) -> (i32, i32) {
    %c0_i32 = arith.constant 0 : i32
    %c0_i32_0 = arith.constant 0 : i32
    %c0_i32_1 = arith.constant 0 : i32
    return %c0_i32, %c0_i32_0 : i32, i32
  }
  func.func @transform_8(%arg0: i32, %arg1: i32) -> (i32, i32) {
    %c0_i32 = arith.constant 0 : i32
    %c0_i32_0 = arith.constant 0 : i32
    %c0_i32_1 = arith.constant 0 : i32
    return %c0_i32, %c0_i32_0 : i32, i32
  }
  func.func @transform_9(%arg0: i32, %arg1: i32) -> (i32, i32) {
    %c0_i32 = arith.constant 0 : i32
    %c0_i32_0 = arith.constant 0 : i32
    return %arg0, %c0_i32 : i32, i32
  }
  func.func @transform_10(%arg0: i32, %arg1: i32) -> (i32, i32) {
    %c0_i32 = arith.constant 0 : i32
    %c0_i32_0 = arith.constant 0 : i32
    return %arg0, %c0_i32 : i32, i32
  }
  func.func @transform_11(%arg0: i32, %arg1: i32) -> (i32, i32) {
    %c0_i32 = arith.constant 0 : i32
    %c0_i32_0 = arith.constant 0 : i32
    %c0_i32_1 = arith.constant 0 : i32
    return %c0_i32, %c0_i32_0 : i32, i32
  }
}

module attributes {stable_mosaic.version = 14 : i64} {
  func.func @_ffn_body(%arg0: i32, %arg1: i32, %arg2: i32, %arg3: memref<16xi32, #tpu.memory_space<smem>>, %arg4: memref<1024x1024xf32, #tpu.memory_space<vmem>>, %arg5: memref<1x1024x512xf32, #tpu.memory_space<vmem>>, %arg6: memref<1x512x1024xf32, #tpu.memory_space<vmem>>, %arg7: memref<16xf32, #tpu.memory_space<smem>>, %arg8: memref<1024x1024xf32, #tpu.memory_space<vmem>>, %arg9: memref<1024x1024xf32, #tpu.memory_space<vmem>>) attributes {dimension_semantics = [#tpu.dimension_semantics<parallel>, #tpu.dimension_semantics<arbitrary>, #tpu.dimension_semantics<arbitrary>], iteration_bounds = array<i64: 2, 2, 4>, scalar_prefetch = 1 : i64, scratch_operands = 0 : i64, tpu.core_type = #tpu.core_type<tc>, window_params = [{transform_indices = @transform_0, window_bounds = array<i64: 1024, 1024>}, {transform_indices = @transform_1, window_bounds = array<i64: 1, 1024, 512>}, {transform_indices = @transform_2, window_bounds = array<i64: 1, 512, 1024>}, {transform_indices = @transform_3, window_bounds = array<i64: 16>}, {transform_indices = @transform_4, window_bounds = array<i64: 1024, 1024>}, {transform_indices = @transform_5, window_bounds = array<i64: 1024, 1024>}]} {
    %eq3A = arith.constant 0 : i32
    %eq3A_0 = arith.cmpi eq, %arg1, %eq3A : i32
    %eq3A_1 = arith.constant 0 : i32
    %eq3A_2 = arith.cmpi eq, %arg2, %eq3A_1 : i32
    %and3A = arith.andi %eq3A_0, %eq3A_2 : i1
    %convert_element_type3A = arith.extui %and3A : i1 to i32
    %cond3A = arith.constant 0 : i32
    %cond3A_3 = arith.cmpi ne, %convert_element_type3A, %cond3A : i32
    scf.if %cond3A_3 {
      %get3A_42 = arith.constant 0 : index
      %get3A_43 = arith.constant 0 : index
      %get3A_44 = vector.load %arg8[%get3A_42, %get3A_43] : memref<1024x1024xf32, #tpu.memory_space<vmem>>, vector<1024x1024xf32>
      %swap3A_45 = arith.constant 0 : index
      %swap3A_46 = arith.constant 0 : index
      %swap3A_47 = vector.load %arg9[%swap3A_45, %swap3A_46] : memref<1024x1024xf32, #tpu.memory_space<vmem>>, vector<1024x1024xf32>
      tpu.vector_store %arg9[%swap3A_45, %swap3A_46], %get3A_44 {strides = array<i32>} : memref<1024x1024xf32, #tpu.memory_space<vmem>>, vector<1024x1024xf32>,
    } else {
    }
    %get3A = arith.constant 0 : index
    %get3A_4 = arith.constant 0 : index
    %get3A_5 = vector.load %arg4[%get3A, %get3A_4] : memref<1024x1024xf32, #tpu.memory_space<vmem>>, vector<1024x1024xf32>
    %get3A_6 = arith.constant 0 : index
    %get3A_7 = arith.constant 0 : index
    %get3A_8 = arith.constant 0 : index
    %get3A_9 = vector.load %arg5[%get3A_6, %get3A_7, %get3A_8] : memref<1x1024x512xf32, #tpu.memory_space<vmem>>, vector<1x1024x512xf32>
    %get3A_10 = vector.shape_cast %get3A_9 : vector<1x1024x512xf32> to vector<1024x512xf32>
    %dot_general3A = arith.constant dense<0.000000e+00> : vector<1024x512xf32>
    %dot_general3A_11 = tpu.matmul %get3A_5, %get3A_10, %dot_general3A {dimension_numbers = #tpu.dot_dimension_numbers<[1], [0], [0], [1], [0, 0, 1, 1], [], []>, transpose_lhs_hint = false} : vector<1024x1024xf32>, vector<1024x512xf32>, vector<1024x512xf32> -> vector<1024x512xf32>
    %mul3A = arith.constant 5.000000e-01 : f32
    %mul3A_12 = vector.broadcast %mul3A : f32 to vector<1024x512xf32>
    %mul3A_13 = arith.mulf %mul3A_12, %dot_general3A_11 : vector<1024x512xf32>
    %mul3A_14 = arith.constant 0.707106769 : f32
    %mul3A_15 = vector.broadcast %mul3A_14 : f32 to vector<1024x512xf32>
    %mul3A_16 = arith.mulf %dot_general3A_11, %mul3A_15 : vector<1024x512xf32>
    %erf3A = math.erf %mul3A_16 : vector<1024x512xf32>
    %add3A = arith.constant 1.000000e+00 : f32
    %add3A_17 = vector.broadcast %add3A : f32 to vector<1024x512xf32>
    %add3A_18 = arith.addf %add3A_17, %erf3A : vector<1024x512xf32>
    %mul3A_19 = arith.mulf %mul3A_13, %add3A_18 : vector<1024x512xf32>
    %get3A_20 = arith.index_cast %arg1 : i32 to index
    %get3A_21 = memref.load %arg7[%get3A_20] : memref<16xf32, #tpu.memory_space<smem>>
    %get3A_22 = arith.constant 0 : index
    %get3A_23 = memref.load %arg7[%get3A_22] : memref<16xf32, #tpu.memory_space<smem>>
    %get3A_24 = arith.constant 1 : index
    %get3A_25 = memref.load %arg7[%get3A_24] : memref<16xf32, #tpu.memory_space<smem>>
    %add3A_26 = arith.addf %get3A_23, %get3A_25 : f32
    %div3A = arith.divf %get3A_21, %add3A_26 : f32
    %get3A_27 = arith.constant 0 : index
    %get3A_28 = arith.constant 0 : index
    %get3A_29 = vector.load %arg9[%get3A_27, %get3A_28] : memref<1024x1024xf32, #tpu.memory_space<vmem>>, vector<1024x1024xf32>
    %get3A_30 = arith.constant 0 : index
    %get3A_31 = arith.constant 0 : index
    %get3A_32 = arith.constant 0 : index
    %get3A_33 = vector.load %arg6[%get3A_30, %get3A_31, %get3A_32] : memref<1x512x1024xf32, #tpu.memory_space<vmem>>, vector<1x512x1024xf32>
    %get3A_34 = vector.shape_cast %get3A_33 : vector<1x512x1024xf32> to vector<512x1024xf32>
    %dot_general3A_35 = arith.constant dense<0.000000e+00> : vector<1024x1024xf32>
    %dot_general3A_36 = tpu.matmul %mul3A_19, %get3A_34, %dot_general3A_35 {dimension_numbers = #tpu.dot_dimension_numbers<[1], [0], [0], [1], [0, 0, 1, 1], [], []>, transpose_lhs_hint = false} : vector<1024x512xf32>, vector<512x1024xf32>, vector<1024x1024xf32> -> vector<1024x1024xf32>
    %mul3A_37 = vector.broadcast %div3A : f32 to vector<1024x1024xf32>
    %mul3A_38 = arith.mulf %mul3A_37, %dot_general3A_36 : vector<1024x1024xf32>
    %add3A_39 = arith.addf %get3A_29, %mul3A_38 : vector<1024x1024xf32>
    %swap3A = arith.constant 0 : index
    %swap3A_40 = arith.constant 0 : index
    %swap3A_41 = vector.load %arg9[%swap3A, %swap3A_40] : memref<1024x1024xf32, #tpu.memory_space<vmem>>, vector<1024x1024xf32>
    tpu.vector_store %arg9[%swap3A, %swap3A_40], %add3A_39 {strides = array<i32>} : memref<1024x1024xf32, #tpu.memory_space<vmem>>, vector<1024x1024xf32>,
    return
  }
  func.func @transform_0(%arg0: i32, %arg1: i32, %arg2: i32, %arg3: memref<16xi32, #tpu.memory_space<smem>>) -> (i32, i32) {
    %c0_i32 = arith.constant 0 : i32
    %c0_i32_0 = arith.constant 0 : i32
    return %arg0, %c0_i32 : i32, i32
  }
  func.func @transform_1(%arg0: i32, %arg1: i32, %arg2: i32, %arg3: memref<16xi32, #tpu.memory_space<smem>>) -> (i32, i32, i32) {
    %get3A = arith.index_cast %arg1 : i32 to index
    %get3A_0 = memref.load %arg3[%get3A] : memref<16xi32, #tpu.memory_space<smem>>
    %c0_i32 = arith.constant 0 : i32
    %c0_i32_1 = arith.constant 0 : i32
    return %get3A_0, %c0_i32, %arg2 : i32, i32, i32
  }
  func.func @transform_2(%arg0: i32, %arg1: i32, %arg2: i32, %arg3: memref<16xi32, #tpu.memory_space<smem>>) -> (i32, i32, i32) {
    %get3A = arith.index_cast %arg1 : i32 to index
    %get3A_0 = memref.load %arg3[%get3A] : memref<16xi32, #tpu.memory_space<smem>>
    %c0_i32 = arith.constant 0 : i32
    %c0_i32_1 = arith.constant 0 : i32
    return %get3A_0, %arg2, %c0_i32 : i32, i32, i32
  }
  func.func @transform_3(%arg0: i32, %arg1: i32, %arg2: i32, %arg3: memref<16xi32, #tpu.memory_space<smem>>) -> i32 {
    %c0_i32 = arith.constant 0 : i32
    %c0_i32_0 = arith.constant 0 : i32
    return %c0_i32 : i32
  }
  func.func @transform_4(%arg0: i32, %arg1: i32, %arg2: i32, %arg3: memref<16xi32, #tpu.memory_space<smem>>) -> (i32, i32) {
    %c0_i32 = arith.constant 0 : i32
    %c0_i32_0 = arith.constant 0 : i32
    return %arg0, %c0_i32 : i32, i32
  }
  func.func @transform_5(%arg0: i32, %arg1: i32, %arg2: i32, %arg3: memref<16xi32, #tpu.memory_space<smem>>) -> (i32, i32) {
    %c0_i32 = arith.constant 0 : i32
    %c0_i32_0 = arith.constant 0 : i32
    return %arg0, %c0_i32 : i32, i32
  }
}

</mosaic_0001>

<sc_bundles>
// kernel: kernel.8.cloned.1.call-start
scs
__scs_entry_jumppad:
0x0: {  	(pc) =	sbr.rel $0x88, $3  }
0x1: {  	(tag) =	ssettag $0x0;
	lr =	simm.s32 $0x1  }
0x2: {  	[smem:$0x3F8E] =	sst lr;
	_ =	strace $0xD0000000  }
0x3: {  	_ = 	snop  }
0x4: {  	_ = 	snop  }
0x5: {  	_ = 	snop  }
0x6: {  	_ = 	snop  }
0x7: {  	_ = 	snop  }
__scs_overlays_trampoline_lowered:
0x8: {  	[smem:$0x3F9D] =	sst s0  }
0x9: {  	[smem:$0x3F9E] =	sst s1  }
0xa: {  	[smem:$0x3F9F] =	sst s2  }
0xb: {  	[smem:$0x3FA0] =	sst s3  }
0xc: {  	[smem:$0x3FA1] =	sst s4  }
0xd: {  	[smem:$0x3FA2] =	sst s5  }
0xe: {  	[smem:$0x3FA3] =	sst s6  }
0xf: {  	[smem:$0x3FA4] =	sst s7  }
0x10: {  	[smem:$0x3FA5] =	sst s8  }
0x11: {  	[smem:$0x3FA6] =	sst s9;
	s0 =	simm.s32 @!p0 $0x0  }
0x12: {  	s1 =	sld [smem:$0x3F8C];
	s0 =	simm.s32 @p0 $0x1  }
0x13: {  	[smem:$0x3FA7] =	sst s0;
	s0 =	simm.s32 @!p1 $0x0  }
0x14: {  	s2 =	sld [smem:$0x3F8B];
	s0 =	simm.s32 @p1 $0x1  }
0x15: {  	[smem:$0x3FA8] =	sst s0;
	s0 =	simm.s32 @!p2 $0x0  }
0x16: {  	s3 =	sld [smem:$0x3FDB];
	s0 =	simm.s32 @p2 $0x1  }
0x17: {  	s4 =	simm.s32 $0x1BF5;
	[smem:$0x3FAA] =	sst s0  }
0x18: {  	s0 =	sld [smem:$0x3F8D];
	_ =	swait.ge [sflag:s4], $0x0  }
0x19: {  	s7 =	sld [smem:$0x3F8E]  }
0x1a: {  	s8 =	sadd.s32 $0xFFFFE003, lr  }
0x1b: {  	s9 =	sadd.s32 $0xFFFFFEF7, lr;
	s5 =	simm.s32 $0xFFFFFFFF;
	p2 =	slt.u32 s8, $0xFFFFF086  }
0x1c: {  	p1 =	slt.u32 s9, $0xF7A;
	s5 =	simm.s32 @!p2 $0x0  }
0x1d: {  	s5 =	simm.s32 @p1 $0x1;
	p0 =	seq.s32 s7, s2  }
0x1e: {  	s7 =	smul.u32 @!p0 $0xF7A, s2;
	p2 =	seq.s32 @!p0 s5, $0x0  }
0x1f: {  	s9 =	smul.u32 $0xF7A, s1;
	s8 =	simm.s32 @!p0 $0x1BF5;
	p2 =	por !p2, p0  }
0x20: {  	[sflag:s8] =	ssyncset.s32 @!p0 $0xFFFFF086;
	s6 =	sadd.s32 @!p0 s3, s7;
	s7 =	simm.s32 @!p0 $0x108  }
0x21: {  	s3 =	sadd.s32 s3, s9;
	s6 =	sadd.s32 @!p0 $0x88, s6;
	s7 =	simm.s32 @p2 $0x1082  }
0x22: {  	[simem:s7], [sflag:s8] =	dma.local @!p0 [hbm:s6], $0xF7A  }
0x23: {  	s9 =	sor.u32 $0xD0000000, s2;
	s6 =	simm.s32 $0x108;
	_ =	swait.ge @!p0 [sflag:s8], $0x0  }
0x24: {  	s3 =	sadd.s32 $0x88, s3;
	s6 =	simm.s32 @!p1 $0x1082;
	[sflag:s4] =	ssyncset.s32 $0xFFFFF086  }
0x25: {  	[simem:s6], [sflag:s4] =	dma.local [hbm:s3], $0xF7A  }
0x26: {  	[smem:$0x3F8E] =	sst s1;
	(tag) =	ssettag s2;
	_ =	strace s9  }
0x27: {  	s1 =	sld [smem:$0x3F9E]  }
0x28: {  	s2 =	sld [smem:$0x3F9F]  }
0x29: {  	s4 =	sld [smem:$0x3FA1]  }
0x2a: {  	p0 =	seq.s32 s5, $0x0;
	s5 =	sld [smem:$0x3FA2]  }
0x2b: {  	s6 =	sld [smem:$0x3FA3]  }
0x2c: {  	s7 =	sld [smem:$0x3FA4]  }
0x2d: {  	s3 =	simm.s32 $0x108;
	s8 =	sld [smem:$0x3FA5]  }
0x2e: {  	s3 =	simm.s32 @!p0 $0x1082;
	s9 =	sld [smem:$0x3FA6]  }
0x2f: {  	lr =	sadd.s32 s0, s3;
	s0 =	sld [smem:$0x3F9D]  }
0x30: {  	s3 =	sld [smem:$0x3FA0]  }
0x31: {  	[smem:$0x3FA9] =	sst s10  }
0x32: {  	s10 =	sld [smem:$0x3FA7];
	_ =	sdelay $0x3  }
0x33: {  	p0 =	seq.s32 s10, $0x1;
	s10 =	sld [smem:$0x3FA9];
	_ =	sdelay $0x3  }
0x34: {  	[smem:$0x3FA9] =	sst s10  }
0x35: {  	s10 =	sld [smem:$0x3FA8];
	_ =	sdelay $0x3  }
0x36: {  	p1 =	seq.s32 s10, $0x1;
	s10 =	sld [smem:$0x3FA9];
	_ =	sdelay $0x3  }
0x37: {  	[smem:$0x3FA9] =	sst s10  }
0x38: {  	s10 =	sld [smem:$0x3FAA]  }
0x39: {  	_ = 	snop;
	(pc) =	sbr.ind lr, $3  }
0x3a: {  	_ = 	snop  }
0x3b: {  	_ = 	snop  }
0x3c: {  	p2 =	seq.s32 s10, $0x1;
	s10 =	sld [smem:$0x3FA9]  }
0x3d: {  	_ =	shalt  }
0x3e: {  	_ =	shalt  }
0x3f: {  	_ =	shalt  }
0x40: {  	_ =	shalt  }
0x41: {  	_ =	shalt  }
0x42: {  	_ =	shalt  }
0x43: {  	_ =	shalt  }
0x44: {  	_ =	shalt  }
0x45: {  	_ =	shalt  }
0x46: {  	_ =	shalt  }
0x47: {  	_ =	shalt  }
0x48: {  	_ =	shalt  }
0x49: {  	_ =	shalt  }
0x4a: {  	_ =	shalt  }
0x4b: {  	_ =	shalt  }
0x4c: {  	_ =	shalt  }
0x4d: {  	_ =	shalt  }
0x4e: {  	_ =	shalt  }
0x4f: {  	_ =	shalt  }
0x50: {  	_ =	shalt  }
0x51: {  	_ =	shalt  }
0x52: {  	_ =	shalt  }
0x53: {  	_ =	shalt  }
0x54: {  	_ =	shalt  }
0x55: {  	_ =	shalt  }
0x56: {  	_ =	shalt  }
0x57: {  	_ =	shalt  }
0x58: {  	_ =	shalt  }
0x59: {  	_ =	shalt  }
0x5a: {  	_ =	shalt  }
0x5b: {  	_ =	shalt  }
0x5c: {  	_ =	shalt  }
0x5d: {  	_ =	shalt  }
0x5e: {  	_ =	shalt  }
0x5f: {  	_ =	shalt  }
0x60: {  	_ =	shalt  }
0x61: {  	_ =	shalt  }
0x62: {  	_ =	shalt  }
0x63: {  	_ =	shalt  }
0x64: {  	_ =	shalt  }
0x65: {  	_ =	shalt  }
0x66: {  	_ =	shalt  }
0x67: {  	_ =	shalt  }
0x68: {  	_ =	shalt  }
0x69: {  	_ =	shalt  }
0x6a: {  	_ =	shalt  }
0x6b: {  	_ =	shalt  }
0x6c: {  	_ =	shalt  }
0x6d: {  	_ =	shalt  }
0x6e: {  	_ =	shalt  }
0x6f: {  	_ =	shalt  }
0x70: {  	_ =	shalt  }
0x71: {  	_ =	shalt  }
0x72: {  	_ =	shalt  }
0x73: {  	_ =	shalt  }
0x74: {  	_ =	shalt  }
0x75: {  	_ =	shalt  }
0x76: {  	_ =	shalt  }
0x77: {  	_ =	shalt  }
0x78: {  	_ =	shalt  }
0x79: {  	_ =	shalt  }
0x7a: {  	_ =	shalt  }
0x7b: {  	_ =	shalt  }
0x7c: {  	_ =	shalt  }
0x7d: {  	_ =	shalt  }
0x7e: {  	_ =	shalt  }
0x7f: {  	_ =	shalt  }
0x80: {  	_ =	shalt  }
0x81: {  	_ =	shalt  }
0x82: {  	_ =	shalt  }
0x83: {  	_ =	shalt  }
0x84: {  	_ =	shalt  }
0x85: {  	_ =	shalt  }
0x86: {  	_ =	shalt  }
0x87: {  	_ =	shalt  }
.Lfunc_end0:
.L_simem_size_0:
called_computation_lowered:
.L_overlay_start_0:
0x88: {  	s2 =	sld [smem:$0x3FD9]  }
0x89: {  	s3 =	sld [smem:$0x3FFE];
	_ =	sdelay $0x1  }
0x8a: {  	s1 =	srdreg.scid  }
0x8b: {  	s0 =	sand.u32 $0x1, s1  }
0x8c: {  	s17 =	sshll.u32 s0, $0xA;
	s2 =	sadd.s32 s3, s2  }
0x8d: {  	s2 =	sadd.s32 s2, s17  }
0x8e: {  	[smem:$0x3FB5] =	sst s2  }
0x8f: {  	_ = 	snop  }
0x90: {  	s2 =	sld [smem:$0x3FD0];
	(tm) =	ssettm $0x1  }
0x91: {  	s18 =	sld [smem:$0x3FFB];
	_ =	sdelay $0x3  }
0x92: {  	_ =	strace s18  }
0x93: {  	s3 =	sld [smem:$0x3FFC];
	_ =	sdelay $0x3  }
0x94: {  	_ =	strace s3  }
0x95: {  	s3 =	sld [smem:$0x3FFD];
	_ =	sdelay $0x3  }
0x96: {  	_ =	strace s3  }
0x97: {  	_ =	strace $0x8FFFFFFF  }
0x98: {  	s19 =	sld [smem:$0x3FDB];
	_ =	sdelay $0x1  }
0x99: {  	s4 =	simm.s32 $_scs_section_size  }
0x9a: {  	s5 =	simm.s32 $_size__tile_overlayer_lowered;
	s6 =	simm.s32 $_tile_overlayer_lowered  }
0x9b: {  	s22 =	simm.s32 $0x1BFF;
	s21 =	sshll.u32 s6, $0x1;
	s3 =	sadd.s32 s4, s19  }
0x9c: {  	s7 =	simm.s32 $0x0;
	s20 =	sshll.u32 s5, $0x1;
	s5 =	sadd.s32 s21, s3  }
0x9d: {  	[timem:s7], [sflag:s22] =	dma.local [hbm:s5], s20  }
0x9e: {  	_ =	swait.ge [sflag:s22], s20  }
0x9f: {  	s4 =	ssub.s32 $0x0, s20;
	[sflag:s22] =	ssyncset.done $0x0  }
0xa0: {  	[sflag:s22] =	ssyncadd.s32 s4;
	_ =	sdelay $0x1  }
0xa1: {  	s23 =	simm.s32 $0x1B8B  }
0xa2: {  	_ =	swait.ge [sflag:s23], $0x1  }
0xa3: {  	[sflag:s23] =	ssyncset.done $0x0  }
0xa4: {  	s25 =	simm.s32 $0x1B8E;
	s24 =	sld [smem:$0x3FFE];
	[sflag:s23] =	ssyncadd.s32 $0xFFFFFFFF  }
0xa5: {  	s26 =	simm.s32 $execute0_lowered;
	[smem:$0x3FD2] =	sst s25  }
0xa6: {  	s5 =	sshll.u32 s26, $0x1;
	_ =	strace $0x80000046;
	[dreg:$0x1] =	wrdreg $0xFFFFFFFF  }
0xa7: {  	s28 =	simm.s32 $_size_execute0_lowered;
	s3 =	sadd.s32 s3, s5;
	[dreg:$0x0] =	wrdreg $0x0  }
0xa8: {  	s5 =	sshll.u32 s28, $0x1;
	[dreg:$0x2] =	wrdreg s3  }
0xa9: {  	[dreg:$0x3] =	wrdreg s5  }
0xaa: {  	[dreg:$0x4] =	wrdreg $0xC0  }
0xab: {  	_ =	task [dreg:s7], $0x5FFFF  }
0xac: {  	[dreg:$0x1] =	wrdreg $0xFFFFFFFF  }
0xad: {  	[dreg:$0x0] =	wrdreg $0x60  }
0xae: {  	[dreg:$0x2] =	wrdreg s2  }
0xaf: {  	[dreg:$0x3] =	wrdreg s24  }
0xb0: {  	[dreg:$0x4] =	wrdreg $0x9  }
0xb1: {  	_ =	task.clear_ibuf [dreg:s7], $0x5FFFF;
	_ =	strace $0x90000046  }
0xb2: {  	s29 =	simm.s32 $0x9;
	_ =	strace $0x80000048  }
0xb3: {  	_ =	swait.ge [sflag:s29], $0x1  }
0xb4: {  	[sflag:s29] =	ssyncadd.s32 $0xFFFFFFFF  }
0xb5: {  	_ =	strace $0x90000048  }
0xb6: {  	_ =	sfence  }
0xb7: {  	s30 =	sld [smem:$0x0];
	_ =	sdelay $0x2  }
0xb8: {  	s31 =	sshll.u32 s1, $0xD;
	s1 =	sshrl.u32 s1, $0x2  }
0xb9: {  	s3 =	sand.u32 $0x4000, s31;
	s1 =	sadd.s32 s1, s30  }
0xba: {  	s0 =	sor.u32 s3, s0;
	s1 =	sshll.u32 s1, $0x11  }
0xbb: {  	s0 =	sor.u32 s1, s0  }
0xbc: {  	s0 =	sadd.s32 $0x8F2B, s0  }
0xbd: {  	[sflag:s0] =	ssyncadd.remote.s32 $0x1  }
0xbe: {  	_ =	sfence.sel $0xFFFF  }
0xbf: {  	[dreg:$0x0] =	wrdreg $0xFFFFFFFF;
	(pc) =	sbr.abs _section_cstart, $3  }
0xc0: {  	[dreg:$0x1] =	wrdreg $0xFFFFFFFF  }
0xc1: {  	_ =	task.clear_ibuf [dreg:s7], $0x2FFFF;
	_ =	strace $0x9FFFFFFF  }
0xc2: {  	(tm) =	ssettm $0x7FFFFFFF  }
0xc3: {  	_ =	shalt  }
tec
execute0_lowered:
.L_overlay_start_1:
0x0: {  	(tag) =	ssettag $0x1  }
0x1: {  	s0 =	srdreg.scid  }
0x2: {  	s6 =	sand.u32 $0x1, s0;
	s0 =	stileid.u32  }
0x3: {  	s3 =	sshll.u32 s0, $0x1;
	s4 =	ssub.s32 $0x0, s6  }
0x4: {  	p0 =	sne.s32 s3, s4  }
.Ltmp0:
0x5: {  	_ = 	snop;
	(pc) =	sbr.rel @p0 .LBB2_4-.Ltmp0, $4  }
0x6: {  	_ = 	snop  }
0x7: {  	s2 =	rddreg [dreg:$0x0]  }
0x8: {  	s7 =	rddreg [dreg:$0x1]  }
0x9: {  	s1 =	rddreg [dreg:$0x2];
	_ =	strace $0x80000047  }
0xa: {  	s4 =	simm.s32 $0x0;
	s3 =	simm.s32 $0x1  }
0xb: {  	[tilespmem:s4], [sflag:$0x1] =	stream.linear.gather [hbm4b:s2+s4], $0x80, $0x38;
	[tilespmem:$0x180] =	vst v63  }
0xc: {  	v0 =	vimm.s32 $0xEFCDAB89;
	v1 =	vimm.s32 $0x67452301;
	v2 =	vimm.s32 $0xDCFE98BA;
	_ =	swait.ge [sflag:s3], $0x80  }
0xd: {  	v3 =	vimm.s32 $0x54761032;
	v0 =	vunpack.c.l.s4.s8 v0;
	v1 =	vunpack.c.l.s4.s8 v1;
	[sflag:s3] =	ssyncset.done $0x0  }
0xe: {  	v2 =	vunpack.c.l.s4.s8 v2;
	v3 =	vunpack.c.l.s4.s8 v3;
	[sflag:s3] =	ssyncadd.s32 $0xFFFFFF80  }
0xf: {  	v0 =	vunpack.c.0.s8.s32 v0;
	v1 =	vunpack.c.0.s8.s32 v1;
	v5 =	vld [tilespmem:$0x0]  }
0x10: {  	v2 =	vunpack.c.0.s8.s32 v2;
	v3 =	vunpack.c.0.s8.s32 v3  }
0x11: {  	v0 =	vcombine.low v1, v0  }
0x12: {  	v1 =	vcombine.low v3, v2;
	v2 =	vimm.s32 $0xBA98FEDC;
	v3 =	vimm.s32 $0x32107654  }
0x13: {  	v2 =	vunpack.c.l.s4.s8 v2;
	v3 =	vunpack.c.l.s4.s8 v3;
	v0 =	vand.u32 $0xF, v0  }
0x14: {  	v6 =	vimm.s32 $0xFEDCBA98;
	v4 =	vperm.xlane v5, v0  }
0x15: {  	v7 =	vimm.s32 $0x76543210;
	v2 =	vunpack.c.0.s8.s32 v2;
	v3 =	vunpack.c.0.s8.s32 v3  }
0x16: {  	v6 =	vunpack.c.l.s4.s8 v6;
	v1 =	vand.u32 $0xF, v1;
	v4 =	vmax.f32 v5, v4  }
0x17: {  	v2 =	vcombine.low v3, v2;
	v3 =	vunpack.c.l.s4.s8 v7;
	v7 =	vperm.xlane v4, v1  }
0x18: {  	v6 =	vunpack.c.0.s8.s32 v6  }
0x19: {  	v2 =	vand.u32 $0xF, v2;
	v3 =	vunpack.c.0.s8.s32 v3;
	v4 =	vmax.f32 v4, v7  }
0x1a: {  	v6 =	vand.u32 $0xF, v6;
	v7 =	vperm.xlane v4, v2  }
0x1b: {  	v3 =	vcombine.low v6, v3  }
0x1c: {  	v4 =	vmax.f32 v4, v7  }
0x1d: {  	v6 =	vperm.xlane v4, v3;
	_ =	sdelay $0x1  }
0x1e: {  	v6 =	vmax.f32 v4, v6  }
0x1f: {  	v4 =	vlaneseq.u32;
	vm0 =	veq.f32 v5, v6  }
0x20: {  	v7 =	vnsel vm0, $0x10, v4  }
0x21: {  	v8 =	vperm.xlane v7, v0;
	_ =	sdelay $0x1  }
0x22: {  	vm0 =	vlt.s32 v7, v8  }
0x23: {  	v7 =	vsel vm0, v7, v8  }
0x24: {  	v8 =	vperm.xlane v7, v1;
	_ =	sdelay $0x1  }
0x25: {  	vm0 =	vlt.s32 v7, v8  }
0x26: {  	v7 =	vsel vm0, v7, v8  }
0x27: {  	v8 =	vperm.xlane v7, v2;
	_ =	sdelay $0x1  }
0x28: {  	vm0 =	vlt.s32 v7, v8  }
0x29: {  	v7 =	vsel vm0, v7, v8  }
0x2a: {  	v8 =	vperm.xlane v7, v3;
	_ =	sdelay $0x1  }
0x2b: {  	vm0 =	vlt.s32 v7, v8  }
0x2c: {  	v7 =	vsel vm0, v7, v8  }
0x2d: {  	vm0 =	veq.s32 v7, v4  }
0x2e: {  	v5 =	vsel vm0, $0xC0000000, v5  }
0x2f: {  	v62 =	vperm.xlane v5, v0;
	_ =	sdelay $0x1  }
0x30: {  	v8 =	vmax.f32 v5, v62  }
0x31: {  	v9 =	vperm.xlane v8, v1;
	_ =	sdelay $0x1  }
0x32: {  	v8 =	vmax.f32 v8, v9  }
0x33: {  	v9 =	vperm.xlane v8, v2;
	_ =	sdelay $0x1  }
0x34: {  	v8 =	vmax.f32 v8, v9  }
0x35: {  	v9 =	vperm.xlane v8, v3;
	_ =	sdelay $0x1  }
0x36: {  	v8 =	vmax.f32 v8, v9  }
0x37: {  	vm0 =	veq.f32 v5, v8  }
0x38: {  	v5 =	vnsel vm0, $0x10, v4  }
0x39: {  	v63 =	vperm.xlane v5, v0;
	_ =	sdelay $0x1  }
0x3a: {  	vm0 =	vlt.s32 v5, v63  }
0x3b: {  	v5 =	vsel vm0, v5, v63  }
0x3c: {  	v9 =	vperm.xlane v5, v1;
	_ =	sdelay $0x1  }
0x3d: {  	vm0 =	vlt.s32 v5, v9  }
0x3e: {  	v5 =	vsel vm0, v5, v9  }
0x3f: {  	v9 =	vperm.xlane v5, v2;
	_ =	sdelay $0x1  }
0x40: {  	vm0 =	vlt.s32 v5, v9  }
0x41: {  	v5 =	vsel vm0, v5, v9  }
0x42: {  	v9 =	vperm.xlane v5, v3;
	_ =	sdelay $0x1  }
0x43: {  	vm0 =	vcmask $0x3F08;
	vm1 =	vlt.s32 v5, v9  }
0x44: {  	s8 =	ssub.s32 $0x2, s6;
	v8 =	vsel vm0, $0x0, v8;
	v5 =	vsel vm1, v5, v9;
	vm1 =	vmmov $0x1  }
0x45: {  	s9 =	sshrl.u32 s8, $0x1;
	v6 =	vsel vm1, v6, v8;
	v5 =	vsel vm0, $0x0, v5  }
0x46: {  	s8 =	ssub.s32 s8, s9;
	[tilespmem:$0x100] =	vst v6;
	v5 =	vsel vm1, v7, v5  }
0x47: {  	s5 =	sadd.s32 $0x4600, s7;
	s6 =	simm.s32 $0x80;
	s9 =	smax.u32 s8, $0x1;
	[tilespmem:$0x80] =	vst v5  }
0x48: {  	[hbm4b:s5+s4] =	stream.linear.scatter [tilespmem:s6], [sflag:$0x1], $0x80, $0x38;
	[tilespmem:$0x180] =	vst v63  }
0x49: {  	p0 =	sne.s32 s9, $0x1;
	_ =	swait.ge [sflag:s3], $0x80  }
.Ltmp1:
0x4a: {  	[sflag:s3] =	ssyncset.done $0x0;
	(pc) =	sbr.rel @!p0 .LBB2_3-.Ltmp1, $4  }
0x4b: {  	s7 =	sadd.s32 $0x4800, s7;
	s8 =	simm.s32 $0x100;
	[sflag:s3] =	ssyncadd.s32 $0xFFFFFF80  }
0x4c: {  	[hbm4b:s7+s4] =	stream.linear.scatter [tilespmem:s8], [sflag:$0x1], $0x80, $0x38;
	[tilespmem:$0x180] =	vst v63  }
0x4d: {  	_ =	swait.ge [sflag:s3], $0x80  }
0x4e: {  	s9 =	sadd.s32 $0xFFFFFFFF, s9;
	[sflag:s3] =	ssyncset.done $0x0  }
.LBB2_2:
0x4f: {  	p0 =	sne.s32 s9, $0x1;
	s9 =	sadd.s32 $0xFFFFFFFF, s9;
	[sflag:s3] =	ssyncadd.s32 $0xFFFFFF80  }
0x50: {  	[tilespmem:s4], [sflag:$0x1] =	stream.linear.gather [hbm4b:s2+s4], $0x80, $0x38;
	[tilespmem:$0x180] =	vst v63  }
0x51: {  	_ =	swait.ge [sflag:s3], $0x80  }
0x52: {  	[sflag:s3] =	ssyncset.done $0x0  }
0x53: {  	[sflag:s3] =	ssyncadd.s32 $0xFFFFFF80  }
0x54: {  	v5 =	vld [tilespmem:$0x0];
	_ =	sdelay $0x4  }
0x55: {  	v6 =	vperm.xlane v5, v0;
	_ =	sdelay $0x1  }
0x56: {  	v6 =	vmax.f32 v5, v6  }
0x57: {  	v7 =	vperm.xlane v6, v1;
	_ =	sdelay $0x1  }
0x58: {  	v6 =	vmax.f32 v6, v7  }
0x59: {  	v7 =	vperm.xlane v6, v2;
	_ =	sdelay $0x1  }
0x5a: {  	v6 =	vmax.f32 v6, v7  }
0x5b: {  	v7 =	vperm.xlane v6, v3;
	_ =	sdelay $0x1  }
0x5c: {  	v6 =	vmax.f32 v6, v7  }
0x5d: {  	vm2 =	veq.f32 v5, v6  }
0x5e: {  	v7 =	vnsel vm2, $0x10, v4  }
0x5f: {  	v8 =	vperm.xlane v7, v0;
	_ =	sdelay $0x1  }
0x60: {  	vm2 =	vlt.s32 v7, v8  }
0x61: {  	v7 =	vsel vm2, v7, v8  }
0x62: {  	v8 =	vperm.xlane v7, v1;
	_ =	sdelay $0x1  }
0x63: {  	vm2 =	vlt.s32 v7, v8  }
0x64: {  	v7 =	vsel vm2, v7, v8  }
0x65: {  	v8 =	vperm.xlane v7, v2;
	_ =	sdelay $0x1  }
0x66: {  	vm2 =	vlt.s32 v7, v8  }
0x67: {  	v7 =	vsel vm2, v7, v8  }
0x68: {  	v8 =	vperm.xlane v7, v3;
	_ =	sdelay $0x1  }
0x69: {  	vm2 =	vlt.s32 v7, v8  }
0x6a: {  	v7 =	vsel vm2, v7, v8  }
0x6b: {  	vm2 =	veq.s32 v7, v4  }
0x6c: {  	v5 =	vsel vm2, $0xC0000000, v5  }
0x6d: {  	v8 =	vperm.xlane v5, v0;
	_ =	sdelay $0x1  }
0x6e: {  	v8 =	vmax.f32 v5, v8  }
0x6f: {  	v9 =	vperm.xlane v8, v1;
	_ =	sdelay $0x1  }
0x70: {  	v8 =	vmax.f32 v8, v9  }
0x71: {  	v9 =	vperm.xlane v8, v2;
	_ =	sdelay $0x1  }
0x72: {  	v8 =	vmax.f32 v8, v9  }
0x73: {  	v9 =	vperm.xlane v8, v3;
	_ =	sdelay $0x1  }
0x74: {  	v8 =	vmax.f32 v8, v9  }
0x75: {  	vm2 =	veq.f32 v5, v8;
	v5 =	vsel vm0, $0x0, v8  }
0x76: {  	v8 =	vnsel vm2, $0x10, v4;
	v5 =	vsel vm1, v6, v5  }
0x77: {  	v6 =	vperm.xlane v8, v0;
	[tilespmem:$0x100] =	vst v5;
	_ =	sdelay $0x1  }
0x78: {  	vm2 =	vlt.s32 v8, v6  }
0x79: {  	v5 =	vsel vm2, v8, v6  }
0x7a: {  	v6 =	vperm.xlane v5, v1;
	_ =	sdelay $0x1  }
0x7b: {  	vm2 =	vlt.s32 v5, v6  }
0x7c: {  	v5 =	vsel vm2, v5, v6  }
0x7d: {  	v6 =	vperm.xlane v5, v2;
	_ =	sdelay $0x1  }
0x7e: {  	vm2 =	vlt.s32 v5, v6  }
0x7f: {  	v5 =	vsel vm2, v5, v6  }
0x80: {  	v6 =	vperm.xlane v5, v3;
	_ =	sdelay $0x1  }
0x81: {  	vm2 =	vlt.s32 v5, v6  }
0x82: {  	v5 =	vsel vm2, v5, v6  }
0x83: {  	v5 =	vsel vm0, $0x0, v5  }
0x84: {  	v5 =	vsel vm1, v7, v5  }
0x85: {  	[tilespmem:$0x80] =	vst v5  }
0x86: {  	[hbm4b:s5+s4] =	stream.linear.scatter [tilespmem:s6], [sflag:$0x1], $0x80, $0x38;
	[tilespmem:$0x180] =	vst v63  }
0x87: {  	_ =	swait.ge [sflag:s3], $0x80  }
.Ltmp2:
0x88: {  	[sflag:s3] =	ssyncset.done $0x0;
	(pc) =	sbr.rel @p0 .LBB2_2-.Ltmp2, $4  }
0x89: {  	[sflag:s3] =	ssyncadd.s32 $0xFFFFFF80  }
0x8a: {  	[hbm4b:s7+s4] =	stream.linear.scatter [tilespmem:s8], [sflag:$0x1], $0x80, $0x38;
	[tilespmem:$0x180] =	vst v63  }
0x8b: {  	_ =	swait.ge [sflag:s3], $0x80  }
0x8c: {  	[sflag:s3] =	ssyncset.done $0x0  }
.LBB2_3:
0x8d: {  	[sflag:s3] =	ssyncadd.s32 $0xFFFFFF80  }
.LBB2_4:
0x8e: {  	_ =	sfence.sel $0x180000  }
0x8f: {  	[bflag:$0x0] =	sbarrier.arrive $0xFFFF  }
0x90: {  	p0 =	sne.s32 s0, $0x0;
	_ =	strace $0x90000047  }
0x91: {  	s0 =	sadd.s32 @!p0 $0x100000, s1;
	[bflag:$0x2] =	sbarrier.arrive $0xFFFF  }
0x92: {  	[sflag:s0] =	ssyncadd.tile.s32 @!p0 $0x1;
	_ =	shalt  }
.Lfunc_end2:
_tile_overlayer_lowered:
.L_overlay_start_2:
0x93: {  	(tag) =	ssettag $0x2  }
0x94: {  	s0 =	rddreg [dreg:$0x0];
	s2 =	stileid.u32  }
0x95: {  	s1 =	rddreg [dreg:$0x1];
	p0 =	sne.s32 s2, $0x0  }
0x96: {  	s3 =	rddreg [dreg:$0x2];
	[bflag:$0x3] =	sbarrier.arrive $0xFFFF;
	s2 =	simm.s32 @!p0 $0x1C01  }
0x97: {  	[timem:s3], [sflag:s2] =	dma.local @!p0 [hbm:s0], s1  }
0x98: {  	s0 =	simm.s32 @!p0 $0x1  }
0x99: {  	_ =	swait.ge @!p0 [sflag:s0], s1  }
0x9a: {  	s1 =	ssub.s32 @!p0 $0x0, s1;
	[sflag:s0] =	ssyncset.done @!p0 $0x0  }
0x9b: {  	[sflag:s0] =	ssyncadd.s32 @!p0 s1  }
0x9c: {  	[bflag:$0x3] =	sbarrier.arrive $0xFFFF  }
0x9d: {  	_ =	shalt  }

</sc_bundles>
